<compile_context>
chip_gen: v7x
topology: tpu7x:2x2x1
jax: 0.10.2.dev20260603
libtpu: 0.0.44.dev20260713+nightly
codegen_flags: <defaults>
</compile_context>

<pallas_src>
import functools

import jax
import jax.numpy as jnp
from jax import lax
from jax.experimental import pallas as pl
from jax.experimental.pallas import tpu as pltpu
from jax.experimental.pallas import tpu_sc as plsc

_NUM_CORES = 2
_NUM_SUBCORES = 16
_NUM_WORKERS = _NUM_CORES * _NUM_SUBCORES
_CHUNK = 128


_K = 4


@functools.lru_cache(maxsize=None)
def _make_gather(V, D, B):
    n_per_w = B // _NUM_WORKERS
    n_chunks = n_per_w // _CHUNK
    n_groups = n_chunks // _K
    assert n_groups % 2 == 0 and n_groups >= 4
    mesh = plsc.VectorSubcoreMesh(core_axis_name="c", subcore_axis_name="s")

    @functools.partial(
        pl.kernel,
        mesh=mesh,
        out_type=jax.ShapeDtypeStruct((B, D), jnp.float32),
        scratch_types=[
            pltpu.VMEM((n_chunks, _CHUNK), jnp.int32),
            pltpu.VMEM((_K, _CHUNK, D), jnp.float32),
            pltpu.VMEM((_K, _CHUNK, D), jnp.float32),
            pltpu.SemaphoreType.DMA,
            pltpu.SemaphoreType.DMA,
            pltpu.SemaphoreType.DMA,
            pltpu.SemaphoreType.DMA,
        ],
        compiler_params=pltpu.CompilerParams(use_tc_tiling_on_sc=False),
    )
    def gather_kernel(idx_hbm, table_hbm, out_hbm, idx_v,
                      rows_a, rows_b, gs_a, gs_b, os_a, os_b):
        wid = lax.axis_index("s") * _NUM_CORES + lax.axis_index("c")
        out_base = wid * n_per_w
        pltpu.sync_copy(idx_hbm.at[wid], idx_v)

        def fire_gathers(g, rows, sem):
            for b in range(_K):
                pltpu.async_copy(table_hbm.at[idx_v.at[g * _K + b]],
                                 rows.at[b], sem)

        def drain_gathers(g, rows, sem):
            for b in range(_K):
                pltpu.make_async_copy(table_hbm.at[idx_v.at[g * _K + b]],
                                      rows.at[b], sem).wait()

        def fire_scatters(g, rows, sem):
            for b in range(_K):
                dst = out_hbm.at[pl.ds(out_base + (g * _K + b) * _CHUNK, _CHUNK)]
                pltpu.async_copy(rows.at[b], dst, sem)

        def drain_scatters(g, rows, sem):
            for b in range(_K):
                dst = out_hbm.at[pl.ds(out_base + (g * _K + b) * _CHUNK, _CHUNK)]
                pltpu.make_async_copy(rows.at[b], dst, sem).wait()

        fire_gathers(0, rows_a, gs_a)

        def body(t, carry):
            ga, gb = 2 * t, 2 * t + 1
            fire_gathers(gb, rows_b, gs_b)
            drain_gathers(ga, rows_a, gs_a)
            fire_scatters(ga, rows_a, os_a)
            drain_gathers(gb, rows_b, gs_b)
            fire_scatters(gb, rows_b, os_b)
            drain_scatters(ga, rows_a, os_a)
            fire_gathers(ga + 2, rows_a, gs_a)
            drain_scatters(gb, rows_b, os_b)
            return carry

        lax.fori_loop(0, n_groups // 2 - 1, body, 0)

        g_last = n_groups - 2
        fire_gathers(g_last + 1, rows_b, gs_b)
        drain_gathers(g_last, rows_a, gs_a)
        fire_scatters(g_last, rows_a, os_a)
        drain_gathers(g_last + 1, rows_b, gs_b)
        fire_scatters(g_last + 1, rows_b, os_b)
        drain_scatters(g_last, rows_a, os_a)
        drain_scatters(g_last + 1, rows_b, os_b)

    return gather_kernel


def kernel(token_ids, weight):
    B0, S = token_ids.shape
    V, D = weight.shape
    B = B0 * S
    idx = token_ids.reshape(
        _NUM_WORKERS, B // (_NUM_WORKERS * _CHUNK), _CHUNK
    ).astype(jnp.int32)
    out = _make_gather(V, D, B)(idx, weight)
    return out.reshape(B0, S, D)

# --- scband reference (transcript-rebuilt; emitter-appended) ---
"""Pipeline reference for scband-embedding-31714038513751 (READ-ONLY COPY).

The authoritative reference and input builder live on the scoring server;
editing this copy changes nothing except your own understanding.
"""

import jax, jax.numpy as jnp
import numpy as np

NUM_EMBEDDINGS = 1000000
EMBEDDING_DIM = 64

def setup_inputs(seed: int = 0) -> dict:
    key = jax.random.key(seed)
    k_idx, k_w = jax.random.split(key)
    token_ids = jax.random.randint(k_idx, (16384, 50), 0, NUM_EMBEDDINGS, dtype=jnp.int64 if jax.config.jax_enable_x64 else jnp.int32)
    # trunc_normal_(mean=0, std=1, a=-3, b=3)
    weight = jax.random.truncated_normal(k_w, -3.0, 3.0, (NUM_EMBEDDINGS, EMBEDDING_DIM), dtype=jnp.float32)
    return {"token_ids": token_ids, "weight": weight}

def reference(token_ids, weight):
    return jnp.take(weight, token_ids, axis=0)

if __name__ == "__main__":
    import jax
    _d = setup_inputs()
    print(jax.jit(kernel)(*tuple(_d.values())))

</pallas_src>

<mosaic_0001>
#map = affine_map<(d0, d1) -> (0, 0, 0)>
#map1 = affine_map<(d0, d1) -> (0, 0)>
module attributes {stable_mosaic.version = 14 : i64} {
  func.func @gather_kernel(%arg0: i32, %arg1: i32, %arg2: memref<32x200x128xi32, #tpu.memory_space<hbm>>, %arg3: memref<1000000x64xf32, #tpu.memory_space<hbm>>, %arg4: memref<819200x64xf32, #tpu.memory_space<hbm>>, %arg5: memref<200x128xi32, #tpu.memory_space<vmem>>, %arg6: memref<4x128x64xf32, #tpu.memory_space<vmem>>, %arg7: memref<4x128x64xf32, #tpu.memory_space<vmem>>, %arg8: memref<!tpu.dma_semaphore, #tpu.memory_space<semaphore_mem>>, %arg9: memref<!tpu.dma_semaphore, #tpu.memory_space<semaphore_mem>>, %arg10: memref<!tpu.dma_semaphore, #tpu.memory_space<semaphore_mem>>, %arg11: memref<!tpu.dma_semaphore, #tpu.memory_space<semaphore_mem>>) attributes {dimension_semantics = [#tpu.dimension_semantics<core_parallel>, #tpu.dimension_semantics<subcore_parallel>], iteration_bounds = array<i64: 2, 16>, scalar_prefetch = 0 : i64, scratch_operands = 7 : i64, tpu.core_type = #tpu.core_type<sc_vector_subcore>, window_params = [{transform_indices = #map}, {transform_indices = #map1}, {transform_indices = #map1}]} {
    %mul3A = arith.constant 2 : i32
    %mul3A_0 = arith.muli %arg1, %mul3A : i32
    %add3A = arith.addi %mul3A_0, %arg0 : i32
    %mul3A_1 = arith.constant 25600 : i32
    %mul3A_2 = arith.muli %add3A, %mul3A_1 : i32
    "tpu.region"() ({
      %run_scoped3A = tpu.sem_alloc : memref<!tpu.dma_semaphore, #tpu.memory_space<semaphore_mem>>
      %dma_start3A_438 = arith.constant 0 : i32
      %dma_start3A_439 = arith.constant 0 : i32
      %dma_start3A_440 = tpu.memref_slice %arg2[%add3A, %dma_start3A_438, %dma_start3A_439] : memref<32x200x128xi32, #tpu.memory_space<hbm>> -> memref<1x200x128xi32, #tpu.memory_space<hbm>>
      %dma_start3A_441 = tpu.memref_squeeze %dma_start3A_440 : memref<1x200x128xi32, #tpu.memory_space<hbm>> -> memref<200x128xi32, #tpu.memory_space<hbm>>
      %dma_start3A_442 = arith.constant 0 : i32
      %dma_start3A_443 = arith.constant 0 : i32
      %dma_start3A_444 = tpu.memref_slice %arg2[%add3A, %dma_start3A_442, %dma_start3A_443] : memref<32x200x128xi32, #tpu.memory_space<hbm>> -> memref<1x200x128xi32, #tpu.memory_space<hbm>>
      %dma_start3A_445 = tpu.memref_squeeze %dma_start3A_444 : memref<1x200x128xi32, #tpu.memory_space<hbm>> -> memref<200x128xi32, #tpu.memory_space<hbm>>
      tpu.enqueue_dma source(%dma_start3A_445 : memref<200x128xi32, #tpu.memory_space<hbm>>) target(%arg5 : memref<200x128xi32, #tpu.memory_space<vmem>>) target_semaphore(%run_scoped3A : memref<!tpu.dma_semaphore, #tpu.memory_space<semaphore_mem>>)
      %dma_wait3A_446 = arith.constant 0 : i32
      %dma_wait3A_447 = arith.constant 0 : i32
      %dma_wait3A_448 = tpu.memref_slice %arg2[%add3A, %dma_wait3A_446, %dma_wait3A_447] : memref<32x200x128xi32, #tpu.memory_space<hbm>> -> memref<1x200x128xi32, #tpu.memory_space<hbm>>
      %dma_wait3A_449 = tpu.memref_squeeze %dma_wait3A_448 : memref<1x200x128xi32, #tpu.memory_space<hbm>> -> memref<200x128xi32, #tpu.memory_space<hbm>>
      %dma_wait3A_450 = arith.constant 0 : i32
      %dma_wait3A_451 = arith.constant 0 : i32
      %dma_wait3A_452 = tpu.memref_slice %arg2[%add3A, %dma_wait3A_450, %dma_wait3A_451] : memref<32x200x128xi32, #tpu.memory_space<hbm>> -> memref<1x200x128xi32, #tpu.memory_space<hbm>>
      %dma_wait3A_453 = tpu.memref_squeeze %dma_wait3A_452 : memref<1x200x128xi32, #tpu.memory_space<hbm>> -> memref<200x128xi32, #tpu.memory_space<hbm>>
      tpu.wait_dma2 semaphore(%run_scoped3A : memref<!tpu.dma_semaphore, #tpu.memory_space<semaphore_mem>>) src(%dma_wait3A_453 : memref<200x128xi32, #tpu.memory_space<hbm>>) dst(%arg5 : memref<200x128xi32, #tpu.memory_space<vmem>>)
      tpu.yield
    }) : () -> ()
    %dma_start3A = arith.constant 0 : i32
    %dma_start3A_3 = arith.constant 0 : i32
    %dma_start3A_4 = arith.constant 0 : i32
    %dma_start3A_5 = arith.constant 0 : i32
    %dma_start3A_6 = tpu.memref_slice %arg6[%dma_start3A_3, %dma_start3A_4, %dma_start3A_5] : memref<4x128x64xf32, #tpu.memory_space<vmem>> -> memref<1x128x64xf32, #tpu.memory_space<vmem>>
    %dma_start3A_7 = tpu.memref_squeeze %dma_start3A_6 : memref<1x128x64xf32, #tpu.memory_space<vmem>> -> memref<128x64xf32, #tpu.memory_space<vmem>>
    %dma_start3A_8 = arith.constant 0 : i32
    %dma_start3A_9 = tpu.memref_slice %arg5[%dma_start3A, %dma_start3A_8] : memref<200x128xi32, #tpu.memory_space<vmem>> -> memref<1x128xi32, #tpu.memory_space<vmem>>
    %dma_start3A_10 = tpu.memref_squeeze %dma_start3A_9 : memref<1x128xi32, #tpu.memory_space<vmem>> -> memref<128xi32, #tpu.memory_space<vmem>>
    %dma_start3A_11 = arith.constant 0 : i32
    %dma_start3A_12 = arith.constant 0 : i32
    %dma_start3A_13 = tpu.memref_slice %arg3[%dma_start3A_11, %dma_start3A_12] : memref<1000000x64xf32, #tpu.memory_space<hbm>> -> memref<1000000x64xf32, #tpu.memory_space<hbm>>
    tpu.enqueue_indirect_dma source(%dma_start3A_13 : memref<1000000x64xf32, #tpu.memory_space<hbm>>) target(%dma_start3A_7 : memref<128x64xf32, #tpu.memory_space<vmem>>) offsets(%dma_start3A_10 : memref<128xi32, #tpu.memory_space<vmem>>) semaphore(%arg8 : memref<!tpu.dma_semaphore, #tpu.memory_space<semaphore_mem>>)
    %dma_start3A_14 = arith.constant 1 : i32
    %dma_start3A_15 = arith.constant 1 : i32
    %dma_start3A_16 = arith.constant 0 : i32
    %dma_start3A_17 = arith.constant 0 : i32
    %dma_start3A_18 = tpu.memref_slice %arg6[%dma_start3A_15, %dma_start3A_16, %dma_start3A_17] : memref<4x128x64xf32, #tpu.memory_space<vmem>> -> memref<1x128x64xf32, #tpu.memory_space<vmem>>
    %dma_start3A_19 = tpu.memref_squeeze %dma_start3A_18 : memref<1x128x64xf32, #tpu.memory_space<vmem>> -> memref<128x64xf32, #tpu.memory_space<vmem>>
    %dma_start3A_20 = arith.constant 0 : i32
    %dma_start3A_21 = tpu.memref_slice %arg5[%dma_start3A_14, %dma_start3A_20] : memref<200x128xi32, #tpu.memory_space<vmem>> -> memref<1x128xi32, #tpu.memory_space<vmem>>
    %dma_start3A_22 = tpu.memref_squeeze %dma_start3A_21 : memref<1x128xi32, #tpu.memory_space<vmem>> -> memref<128xi32, #tpu.memory_space<vmem>>
    %dma_start3A_23 = arith.constant 0 : i32
    %dma_start3A_24 = arith.constant 0 : i32
    %dma_start3A_25 = tpu.memref_slice %arg3[%dma_start3A_23, %dma_start3A_24] : memref<1000000x64xf32, #tpu.memory_space<hbm>> -> memref<1000000x64xf32, #tpu.memory_space<hbm>>
    tpu.enqueue_indirect_dma source(%dma_start3A_25 : memref<1000000x64xf32, #tpu.memory_space<hbm>>) target(%dma_start3A_19 : memref<128x64xf32, #tpu.memory_space<vmem>>) offsets(%dma_start3A_22 : memref<128xi32, #tpu.memory_space<vmem>>) semaphore(%arg8 : memref<!tpu.dma_semaphore, #tpu.memory_space<semaphore_mem>>)
    %dma_start3A_26 = arith.constant 2 : i32
    %dma_start3A_27 = arith.constant 2 : i32
    %dma_start3A_28 = arith.constant 0 : i32
    %dma_start3A_29 = arith.constant 0 : i32
    %dma_start3A_30 = tpu.memref_slice %arg6[%dma_start3A_27, %dma_start3A_28, %dma_start3A_29] : memref<4x128x64xf32, #tpu.memory_space<vmem>> -> memref<1x128x64xf32, #tpu.memory_space<vmem>>
    %dma_start3A_31 = tpu.memref_squeeze %dma_start3A_30 : memref<1x128x64xf32, #tpu.memory_space<vmem>> -> memref<128x64xf32, #tpu.memory_space<vmem>>
    %dma_start3A_32 = arith.constant 0 : i32
    %dma_start3A_33 = tpu.memref_slice %arg5[%dma_start3A_26, %dma_start3A_32] : memref<200x128xi32, #tpu.memory_space<vmem>> -> memref<1x128xi32, #tpu.memory_space<vmem>>
    %dma_start3A_34 = tpu.memref_squeeze %dma_start3A_33 : memref<1x128xi32, #tpu.memory_space<vmem>> -> memref<128xi32, #tpu.memory_space<vmem>>
    %dma_start3A_35 = arith.constant 0 : i32
    %dma_start3A_36 = arith.constant 0 : i32
    %dma_start3A_37 = tpu.memref_slice %arg3[%dma_start3A_35, %dma_start3A_36] : memref<1000000x64xf32, #tpu.memory_space<hbm>> -> memref<1000000x64xf32, #tpu.memory_space<hbm>>
    tpu.enqueue_indirect_dma source(%dma_start3A_37 : memref<1000000x64xf32, #tpu.memory_space<hbm>>) target(%dma_start3A_31 : memref<128x64xf32, #tpu.memory_space<vmem>>) offsets(%dma_start3A_34 : memref<128xi32, #tpu.memory_space<vmem>>) semaphore(%arg8 : memref<!tpu.dma_semaphore, #tpu.memory_space<semaphore_mem>>)
    %dma_start3A_38 = arith.constant 3 : i32
    %dma_start3A_39 = arith.constant 3 : i32
    %dma_start3A_40 = arith.constant 0 : i32
    %dma_start3A_41 = arith.constant 0 : i32
    %dma_start3A_42 = tpu.memref_slice %arg6[%dma_start3A_39, %dma_start3A_40, %dma_start3A_41] : memref<4x128x64xf32, #tpu.memory_space<vmem>> -> memref<1x128x64xf32, #tpu.memory_space<vmem>>
    %dma_start3A_43 = tpu.memref_squeeze %dma_start3A_42 : memref<1x128x64xf32, #tpu.memory_space<vmem>> -> memref<128x64xf32, #tpu.memory_space<vmem>>
    %dma_start3A_44 = arith.constant 0 : i32
    %dma_start3A_45 = tpu.memref_slice %arg5[%dma_start3A_38, %dma_start3A_44] : memref<200x128xi32, #tpu.memory_space<vmem>> -> memref<1x128xi32, #tpu.memory_space<vmem>>
    %dma_start3A_46 = tpu.memref_squeeze %dma_start3A_45 : memref<1x128xi32, #tpu.memory_space<vmem>> -> memref<128xi32, #tpu.memory_space<vmem>>
    %dma_start3A_47 = arith.constant 0 : i32
    %dma_start3A_48 = arith.constant 0 : i32
    %dma_start3A_49 = tpu.memref_slice %arg3[%dma_start3A_47, %dma_start3A_48] : memref<1000000x64xf32, #tpu.memory_space<hbm>> -> memref<1000000x64xf32, #tpu.memory_space<hbm>>
    tpu.enqueue_indirect_dma source(%dma_start3A_49 : memref<1000000x64xf32, #tpu.memory_space<hbm>>) target(%dma_start3A_43 : memref<128x64xf32, #tpu.memory_space<vmem>>) offsets(%dma_start3A_46 : memref<128xi32, #tpu.memory_space<vmem>>) semaphore(%arg8 : memref<!tpu.dma_semaphore, #tpu.memory_space<semaphore_mem>>)
    %scan3A = arith.constant 0 : i32
    %scan3A_50 = arith.constant 0 : i32
    %scan3A_51 = arith.constant 24 : i32
    %scan3A_52 = arith.addi %scan3A_50, %scan3A_51 : i32
    %scan3A_53 = arith.constant 1 : i32
    scf.for %scan3A_438 = %scan3A_50 to %scan3A_52 step %scan3A_53  : i32 {
      %mul3A_439 = arith.constant 2 : i32
      %mul3A_440 = arith.muli %mul3A_439, %scan3A_438 : i32
      %mul3A_441 = arith.constant 2 : i32
      %mul3A_442 = arith.muli %mul3A_441, %scan3A_438 : i32
      %add3A_443 = arith.constant 1 : i32
      %add3A_444 = arith.addi %mul3A_442, %add3A_443 : i32
      %mul3A_445 = arith.constant 4 : i32
      %mul3A_446 = arith.muli %add3A_444, %mul3A_445 : i32
      %add3A_447 = arith.constant 0 : i32
      %add3A_448 = arith.addi %mul3A_446, %add3A_447 : i32
      %dma_start3A_449 = arith.constant 0 : i32
      %dma_start3A_450 = arith.constant 0 : i32
      %dma_start3A_451 = arith.constant 0 : i32
      %dma_start3A_452 = tpu.memref_slice %arg7[%dma_start3A_449, %dma_start3A_450, %dma_start3A_451] : memref<4x128x64xf32, #tpu.memory_space<vmem>> -> memref<1x128x64xf32, #tpu.memory_space<vmem>>
      %dma_start3A_453 = tpu.memref_squeeze %dma_start3A_452 : memref<1x128x64xf32, #tpu.memory_space<vmem>> -> memref<128x64xf32, #tpu.memory_space<vmem>>
      %dma_start3A_454 = arith.constant 0 : i32
      %dma_start3A_455 = tpu.memref_slice %arg5[%add3A_448, %dma_start3A_454] : memref<200x128xi32, #tpu.memory_space<vmem>> -> memref<1x128xi32, #tpu.memory_space<vmem>>
      %dma_start3A_456 = tpu.memref_squeeze %dma_start3A_455 : memref<1x128xi32, #tpu.memory_space<vmem>> -> memref<128xi32, #tpu.memory_space<vmem>>
      %dma_start3A_457 = arith.constant 0 : i32
      %dma_start3A_458 = arith.constant 0 : i32
      %dma_start3A_459 = tpu.memref_slice %arg3[%dma_start3A_457, %dma_start3A_458] : memref<1000000x64xf32, #tpu.memory_space<hbm>> -> memref<1000000x64xf32, #tpu.memory_space<hbm>>
      tpu.enqueue_indirect_dma source(%dma_start3A_459 : memref<1000000x64xf32, #tpu.memory_space<hbm>>) target(%dma_start3A_453 : memref<128x64xf32, #tpu.memory_space<vmem>>) offsets(%dma_start3A_456 : memref<128xi32, #tpu.memory_space<vmem>>) semaphore(%arg9 : memref<!tpu.dma_semaphore, #tpu.memory_space<semaphore_mem>>)
      %mul3A_460 = arith.constant 4 : i32
      %mul3A_461 = arith.muli %add3A_444, %mul3A_460 : i32
      %add3A_462 = arith.constant 1 : i32
      %add3A_463 = arith.addi %mul3A_461, %add3A_462 : i32
      %dma_start3A_464 = arith.constant 1 : i32
      %dma_start3A_465 = arith.constant 0 : i32
      %dma_start3A_466 = arith.constant 0 : i32
      %dma_start3A_467 = tpu.memref_slice %arg7[%dma_start3A_464, %dma_start3A_465, %dma_start3A_466] : memref<4x128x64xf32, #tpu.memory_space<vmem>> -> memref<1x128x64xf32, #tpu.memory_space<vmem>>
      %dma_start3A_468 = tpu.memref_squeeze %dma_start3A_467 : memref<1x128x64xf32, #tpu.memory_space<vmem>> -> memref<128x64xf32, #tpu.memory_space<vmem>>
      %dma_start3A_469 = arith.constant 0 : i32
      %dma_start3A_470 = tpu.memref_slice %arg5[%add3A_463, %dma_start3A_469] : memref<200x128xi32, #tpu.memory_space<vmem>> -> memref<1x128xi32, #tpu.memory_space<vmem>>
      %dma_start3A_471 = tpu.memref_squeeze %dma_start3A_470 : memref<1x128xi32, #tpu.memory_space<vmem>> -> memref<128xi32, #tpu.memory_space<vmem>>
      %dma_start3A_472 = arith.constant 0 : i32
      %dma_start3A_473 = arith.constant 0 : i32
      %dma_start3A_474 = tpu.memref_slice %arg3[%dma_start3A_472, %dma_start3A_473] : memref<1000000x64xf32, #tpu.memory_space<hbm>> -> memref<1000000x64xf32, #tpu.memory_space<hbm>>
      tpu.enqueue_indirect_dma source(%dma_start3A_474 : memref<1000000x64xf32, #tpu.memory_space<hbm>>) target(%dma_start3A_468 : memref<128x64xf32, #tpu.memory_space<vmem>>) offsets(%dma_start3A_471 : memref<128xi32, #tpu.memory_space<vmem>>) semaphore(%arg9 : memref<!tpu.dma_semaphore, #tpu.memory_space<semaphore_mem>>)
      %mul3A_475 = arith.constant 4 : i32
      %mul3A_476 = arith.muli %add3A_444, %mul3A_475 : i32
      %add3A_477 = arith.constant 2 : i32
      %add3A_478 = arith.addi %mul3A_476, %add3A_477 : i32
      %dma_start3A_479 = arith.constant 2 : i32
      %dma_start3A_480 = arith.constant 0 : i32
      %dma_start3A_481 = arith.constant 0 : i32
      %dma_start3A_482 = tpu.memref_slice %arg7[%dma_start3A_479, %dma_start3A_480, %dma_start3A_481] : memref<4x128x64xf32, #tpu.memory_space<vmem>> -> memref<1x128x64xf32, #tpu.memory_space<vmem>>
      %dma_start3A_483 = tpu.memref_squeeze %dma_start3A_482 : memref<1x128x64xf32, #tpu.memory_space<vmem>> -> memref<128x64xf32, #tpu.memory_space<vmem>>
      %dma_start3A_484 = arith.constant 0 : i32
      %dma_start3A_485 = tpu.memref_slice %arg5[%add3A_478, %dma_start3A_484] : memref<200x128xi32, #tpu.memory_space<vmem>> -> memref<1x128xi32, #tpu.memory_space<vmem>>
      %dma_start3A_486 = tpu.memref_squeeze %dma_start3A_485 : memref<1x128xi32, #tpu.memory_space<vmem>> -> memref<128xi32, #tpu.memory_space<vmem>>
      %dma_start3A_487 = arith.constant 0 : i32
      %dma_start3A_488 = arith.constant 0 : i32
      %dma_start3A_489 = tpu.memref_slice %arg3[%dma_start3A_487, %dma_start3A_488] : memref<1000000x64xf32, #tpu.memory_space<hbm>> -> memref<1000000x64xf32, #tpu.memory_space<hbm>>
      tpu.enqueue_indirect_dma source(%dma_start3A_489 : memref<1000000x64xf32, #tpu.memory_space<hbm>>) target(%dma_start3A_483 : memref<128x64xf32, #tpu.memory_space<vmem>>) offsets(%dma_start3A_486 : memref<128xi32, #tpu.memory_space<vmem>>) semaphore(%arg9 : memref<!tpu.dma_semaphore, #tpu.memory_space<semaphore_mem>>)
      %mul3A_490 = arith.constant 4 : i32
      %mul3A_491 = arith.muli %add3A_444, %mul3A_490 : i32
      %add3A_492 = arith.constant 3 : i32
      %add3A_493 = arith.addi %mul3A_491, %add3A_492 : i32
      %dma_start3A_494 = arith.constant 3 : i32
      %dma_start3A_495 = arith.constant 0 : i32
      %dma_start3A_496 = arith.constant 0 : i32
      %dma_start3A_497 = tpu.memref_slice %arg7[%dma_start3A_494, %dma_start3A_495, %dma_start3A_496] : memref<4x128x64xf32, #tpu.memory_space<vmem>> -> memref<1x128x64xf32, #tpu.memory_space<vmem>>
      %dma_start3A_498 = tpu.memref_squeeze %dma_start3A_497 : memref<1x128x64xf32, #tpu.memory_space<vmem>> -> memref<128x64xf32, #tpu.memory_space<vmem>>
      %dma_start3A_499 = arith.constant 0 : i32
      %dma_start3A_500 = tpu.memref_slice %arg5[%add3A_493, %dma_start3A_499] : memref<200x128xi32, #tpu.memory_space<vmem>> -> memref<1x128xi32, #tpu.memory_space<vmem>>
      %dma_start3A_501 = tpu.memref_squeeze %dma_start3A_500 : memref<1x128xi32, #tpu.memory_space<vmem>> -> memref<128xi32, #tpu.memory_space<vmem>>
      %dma_start3A_502 = arith.constant 0 : i32
      %dma_start3A_503 = arith.constant 0 : i32
      %dma_start3A_504 = tpu.memref_slice %arg3[%dma_start3A_502, %dma_start3A_503] : memref<1000000x64xf32, #tpu.memory_space<hbm>> -> memref<1000000x64xf32, #tpu.memory_space<hbm>>
      tpu.enqueue_indirect_dma source(%dma_start3A_504 : memref<1000000x64xf32, #tpu.memory_space<hbm>>) target(%dma_start3A_498 : memref<128x64xf32, #tpu.memory_space<vmem>>) offsets(%dma_start3A_501 : memref<128xi32, #tpu.memory_space<vmem>>) semaphore(%arg9 : memref<!tpu.dma_semaphore, #tpu.memory_space<semaphore_mem>>)
      %mul3A_505 = arith.constant 4 : i32
      %mul3A_506 = arith.muli %mul3A_440, %mul3A_505 : i32
      %add3A_507 = arith.constant 0 : i32
      %add3A_508 = arith.addi %mul3A_506, %add3A_507 : i32
      %dma_wait3A_509 = arith.constant 0 : i32
      %dma_wait3A_510 = arith.constant 0 : i32
      %dma_wait3A_511 = arith.constant 0 : i32
      %dma_wait3A_512 = tpu.memref_slice %arg6[%dma_wait3A_509, %dma_wait3A_510, %dma_wait3A_511] : memref<4x128x64xf32, #tpu.memory_space<vmem>> -> memref<1x128x64xf32, #tpu.memory_space<vmem>>
      %dma_wait3A_513 = tpu.memref_squeeze %dma_wait3A_512 : memref<1x128x64xf32, #tpu.memory_space<vmem>> -> memref<128x64xf32, #tpu.memory_space<vmem>>
      %dma_wait3A_514 = arith.constant 0 : i32
      %dma_wait3A_515 = tpu.memref_slice %arg5[%add3A_508, %dma_wait3A_514] : memref<200x128xi32, #tpu.memory_space<vmem>> -> memref<1x128xi32, #tpu.memory_space<vmem>>
      %dma_wait3A_516 = tpu.memref_squeeze %dma_wait3A_515 : memref<1x128xi32, #tpu.memory_space<vmem>> -> memref<128xi32, #tpu.memory_space<vmem>>
      %dma_wait3A_517 = arith.constant 0 : i32
      %dma_wait3A_518 = arith.constant 0 : i32
      %dma_wait3A_519 = tpu.memref_slice %arg3[%dma_wait3A_517, %dma_wait3A_518] : memref<1000000x64xf32, #tpu.memory_space<hbm>> -> memref<1000000x64xf32, #tpu.memory_space<hbm>>
      tpu.wait_indirect_dma semaphore(%arg8 : memref<!tpu.dma_semaphore, #tpu.memory_space<semaphore_mem>>) src(%dma_wait3A_519 : memref<1000000x64xf32, #tpu.memory_space<hbm>>) dst(%dma_wait3A_513 : memref<128x64xf32, #tpu.memory_space<vmem>>)
      %mul3A_520 = arith.constant 4 : i32
      %mul3A_521 = arith.muli %mul3A_440, %mul3A_520 : i32
      %add3A_522 = arith.constant 1 : i32
      %add3A_523 = arith.addi %mul3A_521, %add3A_522 : i32
      %dma_wait3A_524 = arith.constant 1 : i32
      %dma_wait3A_525 = arith.constant 0 : i32
      %dma_wait3A_526 = arith.constant 0 : i32
      %dma_wait3A_527 = tpu.memref_slice %arg6[%dma_wait3A_524, %dma_wait3A_525, %dma_wait3A_526] : memref<4x128x64xf32, #tpu.memory_space<vmem>> -> memref<1x128x64xf32, #tpu.memory_space<vmem>>
      %dma_wait3A_528 = tpu.memref_squeeze %dma_wait3A_527 : memref<1x128x64xf32, #tpu.memory_space<vmem>> -> memref<128x64xf32, #tpu.memory_space<vmem>>
      %dma_wait3A_529 = arith.constant 0 : i32
      %dma_wait3A_530 = tpu.memref_slice %arg5[%add3A_523, %dma_wait3A_529] : memref<200x128xi32, #tpu.memory_space<vmem>> -> memref<1x128xi32, #tpu.memory_space<vmem>>
      %dma_wait3A_531 = tpu.memref_squeeze %dma_wait3A_530 : memref<1x128xi32, #tpu.memory_space<vmem>> -> memref<128xi32, #tpu.memory_space<vmem>>
      %dma_wait3A_532 = arith.constant 0 : i32
      %dma_wait3A_533 = arith.constant 0 : i32
      %dma_wait3A_534 = tpu.memref_slice %arg3[%dma_wait3A_532, %dma_wait3A_533] : memref<1000000x64xf32, #tpu.memory_space<hbm>> -> memref<1000000x64xf32, #tpu.memory_space<hbm>>
      tpu.wait_indirect_dma semaphore(%arg8 : memref<!tpu.dma_semaphore, #tpu.memory_space<semaphore_mem>>) src(%dma_wait3A_534 : memref<1000000x64xf32, #tpu.memory_space<hbm>>) dst(%dma_wait3A_528 : memref<128x64xf32, #tpu.memory_space<vmem>>)
      %mul3A_535 = arith.constant 4 : i32
      %mul3A_536 = arith.muli %mul3A_440, %mul3A_535 : i32
      %add3A_537 = arith.constant 2 : i32
      %add3A_538 = arith.addi %mul3A_536, %add3A_537 : i32
      %dma_wait3A_539 = arith.constant 2 : i32
      %dma_wait3A_540 = arith.constant 0 : i32
      %dma_wait3A_541 = arith.constant 0 : i32
      %dma_wait3A_542 = tpu.memref_slice %arg6[%dma_wait3A_539, %dma_wait3A_540, %dma_wait3A_541] : memref<4x128x64xf32, #tpu.memory_space<vmem>> -> memref<1x128x64xf32, #tpu.memory_space<vmem>>
      %dma_wait3A_543 = tpu.memref_squeeze %dma_wait3A_542 : memref<1x128x64xf32, #tpu.memory_space<vmem>> -> memref<128x64xf32, #tpu.memory_space<vmem>>
      %dma_wait3A_544 = arith.constant 0 : i32
      %dma_wait3A_545 = tpu.memref_slice %arg5[%add3A_538, %dma_wait3A_544] : memref<200x128xi32, #tpu.memory_space<vmem>> -> memref<1x128xi32, #tpu.memory_space<vmem>>
      %dma_wait3A_546 = tpu.memref_squeeze %dma_wait3A_545 : memref<1x128xi32, #tpu.memory_space<vmem>> -> memref<128xi32, #tpu.memory_space<vmem>>
      %dma_wait3A_547 = arith.constant 0 : i32
      %dma_wait3A_548 = arith.constant 0 : i32
      %dma_wait3A_549 = tpu.memref_slice %arg3[%dma_wait3A_547, %dma_wait3A_548] : memref<1000000x64xf32, #tpu.memory_space<hbm>> -> memref<1000000x64xf32, #tpu.memory_space<hbm>>
      tpu.wait_indirect_dma semaphore(%arg8 : memref<!tpu.dma_semaphore, #tpu.memory_space<semaphore_mem>>) src(%dma_wait3A_549 : memref<1000000x64xf32, #tpu.memory_space<hbm>>) dst(%dma_wait3A_543 : memref<128x64xf32, #tpu.memory_space<vmem>>)
      %mul3A_550 = arith.constant 4 : i32
      %mul3A_551 = arith.muli %mul3A_440, %mul3A_550 : i32
      %add3A_552 = arith.constant 3 : i32
      %add3A_553 = arith.addi %mul3A_551, %add3A_552 : i32
      %dma_wait3A_554 = arith.constant 3 : i32
      %dma_wait3A_555 = arith.constant 0 : i32
      %dma_wait3A_556 = arith.constant 0 : i32
      %dma_wait3A_557 = tpu.memref_slice %arg6[%dma_wait3A_554, %dma_wait3A_555, %dma_wait3A_556] : memref<4x128x64xf32, #tpu.memory_space<vmem>> -> memref<1x128x64xf32, #tpu.memory_space<vmem>>
      %dma_wait3A_558 = tpu.memref_squeeze %dma_wait3A_557 : memref<1x128x64xf32, #tpu.memory_space<vmem>> -> memref<128x64xf32, #tpu.memory_space<vmem>>
      %dma_wait3A_559 = arith.constant 0 : i32
      %dma_wait3A_560 = tpu.memref_slice %arg5[%add3A_553, %dma_wait3A_559] : memref<200x128xi32, #tpu.memory_space<vmem>> -> memref<1x128xi32, #tpu.memory_space<vmem>>
      %dma_wait3A_561 = tpu.memref_squeeze %dma_wait3A_560 : memref<1x128xi32, #tpu.memory_space<vmem>> -> memref<128xi32, #tpu.memory_space<vmem>>
      %dma_wait3A_562 = arith.constant 0 : i32
      %dma_wait3A_563 = arith.constant 0 : i32
      %dma_wait3A_564 = tpu.memref_slice %arg3[%dma_wait3A_562, %dma_wait3A_563] : memref<1000000x64xf32, #tpu.memory_space<hbm>> -> memref<1000000x64xf32, #tpu.memory_space<hbm>>
      tpu.wait_indirect_dma semaphore(%arg8 : memref<!tpu.dma_semaphore, #tpu.memory_space<semaphore_mem>>) src(%dma_wait3A_564 : memref<1000000x64xf32, #tpu.memory_space<hbm>>) dst(%dma_wait3A_558 : memref<128x64xf32, #tpu.memory_space<vmem>>)
      %mul3A_565 = arith.constant 4 : i32
      %mul3A_566 = arith.muli %mul3A_440, %mul3A_565 : i32
      %add3A_567 = arith.constant 0 : i32
      %add3A_568 = arith.addi %mul3A_566, %add3A_567 : i32
      %mul3A_569 = arith.constant 128 : i32
      %mul3A_570 = arith.muli %add3A_568, %mul3A_569 : i32
      %add3A_571 = arith.addi %mul3A_2, %mul3A_570 : i32
      %dma_start3A_572 = arith.constant 0 : i32
      %dma_start3A_573 = arith.constant 0 : i32
      %dma_start3A_574 = arith.constant 0 : i32
      %dma_start3A_575 = tpu.memref_slice %arg6[%dma_start3A_572, %dma_start3A_573, %dma_start3A_574] : memref<4x128x64xf32, #tpu.memory_space<vmem>> -> memref<1x128x64xf32, #tpu.memory_space<vmem>>
      %dma_start3A_576 = tpu.memref_squeeze %dma_start3A_575 : memref<1x128x64xf32, #tpu.memory_space<vmem>> -> memref<128x64xf32, #tpu.memory_space<vmem>>
      %dma_start3A_577 = arith.constant 0 : i32
      %dma_start3A_578 = tpu.memref_slice %arg4[%add3A_571, %dma_start3A_577] : memref<819200x64xf32, #tpu.memory_space<hbm>> -> memref<128x64xf32, #tpu.memory_space<hbm>>
      %dma_start3A_579 = arith.constant 0 : i32
      %dma_start3A_580 = tpu.memref_slice %arg4[%add3A_571, %dma_start3A_579] : memref<819200x64xf32, #tpu.memory_space<hbm>> -> memref<128x64xf32, #tpu.memory_space<hbm>>
      %dma_start3A_581 = arith.constant 0 : i32
      %dma_start3A_582 = arith.constant 0 : i32
      %dma_start3A_583 = tpu.memref_slice %arg6[%dma_start3A_572, %dma_start3A_581, %dma_start3A_582] : memref<4x128x64xf32, #tpu.memory_space<vmem>> -> memref<1x128x64xf32, #tpu.memory_space<vmem>>
      %dma_start3A_584 = tpu.memref_squeeze %dma_start3A_583 : memref<1x128x64xf32, #tpu.memory_space<vmem>> -> memref<128x64xf32, #tpu.memory_space<vmem>>
      tpu.enqueue_dma source(%dma_start3A_584 : memref<128x64xf32, #tpu.memory_space<vmem>>) target(%dma_start3A_580 : memref<128x64xf32, #tpu.memory_space<hbm>>) target_semaphore(%arg10 : memref<!tpu.dma_semaphore, #tpu.memory_space<semaphore_mem>>)
      %mul3A_585 = arith.constant 4 : i32
      %mul3A_586 = arith.muli %mul3A_440, %mul3A_585 : i32
      %add3A_587 = arith.constant 1 : i32
      %add3A_588 = arith.addi %mul3A_586, %add3A_587 : i32
      %mul3A_589 = arith.constant 128 : i32
      %mul3A_590 = arith.muli %add3A_588, %mul3A_589 : i32
      %add3A_591 = arith.addi %mul3A_2, %mul3A_590 : i32
      %dma_start3A_592 = arith.constant 1 : i32
      %dma_start3A_593 = arith.constant 0 : i32
      %dma_start3A_594 = arith.constant 0 : i32
      %dma_start3A_595 = tpu.memref_slice %arg6[%dma_start3A_592, %dma_start3A_593, %dma_start3A_594] : memref<4x128x64xf32, #tpu.memory_space<vmem>> -> memref<1x128x64xf32, #tpu.memory_space<vmem>>
      %dma_start3A_596 = tpu.memref_squeeze %dma_start3A_595 : memref<1x128x64xf32, #tpu.memory_space<vmem>> -> memref<128x64xf32, #tpu.memory_space<vmem>>
      %dma_start3A_597 = arith.constant 0 : i32
      %dma_start3A_598 = tpu.memref_slice %arg4[%add3A_591, %dma_start3A_597] : memref<819200x64xf32, #tpu.memory_space<hbm>> -> memref<128x64xf32, #tpu.memory_space<hbm>>
      %dma_start3A_599 = arith.constant 0 : i32
      %dma_start3A_600 = tpu.memref_slice %arg4[%add3A_591, %dma_start3A_599] : memref<819200x64xf32, #tpu.memory_space<hbm>> -> memref<128x64xf32, #tpu.memory_space<hbm>>
      %dma_start3A_601 = arith.constant 0 : i32
      %dma_start3A_602 = arith.constant 0 : i32
      %dma_start3A_603 = tpu.memref_slice %arg6[%dma_start3A_592, %dma_start3A_601, %dma_start3A_602] : memref<4x128x64xf32, #tpu.memory_space<vmem>> -> memref<1x128x64xf32, #tpu.memory_space<vmem>>
      %dma_start3A_604 = tpu.memref_squeeze %dma_start3A_603 : memref<1x128x64xf32, #tpu.memory_space<vmem>> -> memref<128x64xf32, #tpu.memory_space<vmem>>
      tpu.enqueue_dma source(%dma_start3A_604 : memref<128x64xf32, #tpu.memory_space<vmem>>) target(%dma_start3A_600 : memref<128x64xf32, #tpu.memory_space<hbm>>) target_semaphore(%arg10 : memref<!tpu.dma_semaphore, #tpu.memory_space<semaphore_mem>>)
      %mul3A_605 = arith.constant 4 : i32
      %mul3A_606 = arith.muli %mul3A_440, %mul3A_605 : i32
      %add3A_607 = arith.constant 2 : i32
      %add3A_608 = arith.addi %mul3A_606, %add3A_607 : i32
      %mul3A_609 = arith.constant 128 : i32
      %mul3A_610 = arith.muli %add3A_608, %mul3A_609 : i32
      %add3A_611 = arith.addi %mul3A_2, %mul3A_610 : i32
      %dma_start3A_612 = arith.constant 2 : i32
      %dma_start3A_613 = arith.constant 0 : i32
      %dma_start3A_614 = arith.constant 0 : i32
      %dma_start3A_615 = tpu.memref_slice %arg6[%dma_start3A_612, %dma_start3A_613, %dma_start3A_614] : memref<4x128x64xf32, #tpu.memory_space<vmem>> -> memref<1x128x64xf32, #tpu.memory_space<vmem>>
      %dma_start3A_616 = tpu.memref_squeeze %dma_start3A_615 : memref<1x128x64xf32, #tpu.memory_space<vmem>> -> memref<128x64xf32, #tpu.memory_space<vmem>>
      %dma_start3A_617 = arith.constant 0 : i32
      %dma_start3A_618 = tpu.memref_slice %arg4[%add3A_611, %dma_start3A_617] : memref<819200x64xf32, #tpu.memory_space<hbm>> -> memref<128x64xf32, #tpu.memory_space<hbm>>
      %dma_start3A_619 = arith.constant 0 : i32
      %dma_start3A_620 = tpu.memref_slice %arg4[%add3A_611, %dma_start3A_619] : memref<819200x64xf32, #tpu.memory_space<hbm>> -> memref<128x64xf32, #tpu.memory_space<hbm>>
      %dma_start3A_621 = arith.constant 0 : i32
      %dma_start3A_622 = arith.constant 0 : i32
      %dma_start3A_623 = tpu.memref_slice %arg6[%dma_start3A_612, %dma_start3A_621, %dma_start3A_622] : memref<4x128x64xf32, #tpu.memory_space<vmem>> -> memref<1x128x64xf32, #tpu.memory_space<vmem>>
      %dma_start3A_624 = tpu.memref_squeeze %dma_start3A_623 : memref<1x128x64xf32, #tpu.memory_space<vmem>> -> memref<128x64xf32, #tpu.memory_space<vmem>>
      tpu.enqueue_dma source(%dma_start3A_624 : memref<128x64xf32, #tpu.memory_space<vmem>>) target(%dma_start3A_620 : memref<128x64xf32, #tpu.memory_space<hbm>>) target_semaphore(%arg10 : memref<!tpu.dma_semaphore, #tpu.memory_space<semaphore_mem>>)
      %mul3A_625 = arith.constant 4 : i32
      %mul3A_626 = arith.muli %mul3A_440, %mul3A_625 : i32
      %add3A_627 = arith.constant 3 : i32
      %add3A_628 = arith.addi %mul3A_626, %add3A_627 : i32
      %mul3A_629 = arith.constant 128 : i32
      %mul3A_630 = arith.muli %add3A_628, %mul3A_629 : i32
      %add3A_631 = arith.addi %mul3A_2, %mul3A_630 : i32
      %dma_start3A_632 = arith.constant 3 : i32
      %dma_start3A_633 = arith.constant 0 : i32
      %dma_start3A_634 = arith.constant 0 : i32
      %dma_start3A_635 = tpu.memref_slice %arg6[%dma_start3A_632, %dma_start3A_633, %dma_start3A_634] : memref<4x128x64xf32, #tpu.memory_space<vmem>> -> memref<1x128x64xf32, #tpu.memory_space<vmem>>
      %dma_start3A_636 = tpu.memref_squeeze %dma_start3A_635 : memref<1x128x64xf32, #tpu.memory_space<vmem>> -> memref<128x64xf32, #tpu.memory_space<vmem>>
      %dma_start3A_637 = arith.constant 0 : i32
      %dma_start3A_638 = tpu.memref_slice %arg4[%add3A_631, %dma_start3A_637] : memref<819200x64xf32, #tpu.memory_space<hbm>> -> memref<128x64xf32, #tpu.memory_space<hbm>>
      %dma_start3A_639 = arith.constant 0 : i32
      %dma_start3A_640 = tpu.memref_slice %arg4[%add3A_631, %dma_start3A_639] : memref<819200x64xf32, #tpu.memory_space<hbm>> -> memref<128x64xf32, #tpu.memory_space<hbm>>
      %dma_start3A_641 = arith.constant 0 : i32
      %dma_start3A_642 = arith.constant 0 : i32
      %dma_start3A_643 = tpu.memref_slice %arg6[%dma_start3A_632, %dma_start3A_641, %dma_start3A_642] : memref<4x128x64xf32, #tpu.memory_space<vmem>> -> memref<1x128x64xf32, #tpu.memory_space<vmem>>
      %dma_start3A_644 = tpu.memref_squeeze %dma_start3A_643 : memref<1x128x64xf32, #tpu.memory_space<vmem>> -> memref<128x64xf32, #tpu.memory_space<vmem>>
      tpu.enqueue_dma source(%dma_start3A_644 : memref<128x64xf32, #tpu.memory_space<vmem>>) target(%dma_start3A_640 : memref<128x64xf32, #tpu.memory_space<hbm>>) target_semaphore(%arg10 : memref<!tpu.dma_semaphore, #tpu.memory_space<semaphore_mem>>)
      %mul3A_645 = arith.constant 4 : i32
      %mul3A_646 = arith.muli %add3A_444, %mul3A_645 : i32
      %add3A_647 = arith.constant 0 : i32
      %add3A_648 = arith.addi %mul3A_646, %add3A_647 : i32
      %dma_wait3A_649 = arith.constant 0 : i32
      %dma_wait3A_650 = arith.constant 0 : i32
      %dma_wait3A_651 = arith.constant 0 : i32
      %dma_wait3A_652 = tpu.memref_slice %arg7[%dma_wait3A_649, %dma_wait3A_650, %dma_wait3A_651] : memref<4x128x64xf32, #tpu.memory_space<vmem>> -> memref<1x128x64xf32, #tpu.memory_space<vmem>>
      %dma_wait3A_653 = tpu.memref_squeeze %dma_wait3A_652 : memref<1x128x64xf32, #tpu.memory_space<vmem>> -> memref<128x64xf32, #tpu.memory_space<vmem>>
      %dma_wait3A_654 = arith.constant 0 : i32
      %dma_wait3A_655 = tpu.memref_slice %arg5[%add3A_648, %dma_wait3A_654] : memref<200x128xi32, #tpu.memory_space<vmem>> -> memref<1x128xi32, #tpu.memory_space<vmem>>
      %dma_wait3A_656 = tpu.memref_squeeze %dma_wait3A_655 : memref<1x128xi32, #tpu.memory_space<vmem>> -> memref<128xi32, #tpu.memory_space<vmem>>
      %dma_wait3A_657 = arith.constant 0 : i32
      %dma_wait3A_658 = arith.constant 0 : i32
      %dma_wait3A_659 = tpu.memref_slice %arg3[%dma_wait3A_657, %dma_wait3A_658] : memref<1000000x64xf32, #tpu.memory_space<hbm>> -> memref<1000000x64xf32, #tpu.memory_space<hbm>>
      tpu.wait_indirect_dma semaphore(%arg9 : memref<!tpu.dma_semaphore, #tpu.memory_space<semaphore_mem>>) src(%dma_wait3A_659 : memref<1000000x64xf32, #tpu.memory_space<hbm>>) dst(%dma_wait3A_653 : memref<128x64xf32, #tpu.memory_space<vmem>>)
      %mul3A_660 = arith.constant 4 : i32
      %mul3A_661 = arith.muli %add3A_444, %mul3A_660 : i32
      %add3A_662 = arith.constant 1 : i32
      %add3A_663 = arith.addi %mul3A_661, %add3A_662 : i32
      %dma_wait3A_664 = arith.constant 1 : i32
      %dma_wait3A_665 = arith.constant 0 : i32
      %dma_wait3A_666 = arith.constant 0 : i32
      %dma_wait3A_667 = tpu.memref_slice %arg7[%dma_wait3A_664, %dma_wait3A_665, %dma_wait3A_666] : memref<4x128x64xf32, #tpu.memory_space<vmem>> -> memref<1x128x64xf32, #tpu.memory_space<vmem>>
      %dma_wait3A_668 = tpu.memref_squeeze %dma_wait3A_667 : memref<1x128x64xf32, #tpu.memory_space<vmem>> -> memref<128x64xf32, #tpu.memory_space<vmem>>
      %dma_wait3A_669 = arith.constant 0 : i32
      %dma_wait3A_670 = tpu.memref_slice %arg5[%add3A_663, %dma_wait3A_669] : memref<200x128xi32, #tpu.memory_space<vmem>> -> memref<1x128xi32, #tpu.memory_space<vmem>>
      %dma_wait3A_671 = tpu.memref_squeeze %dma_wait3A_670 : memref<1x128xi32, #tpu.memory_space<vmem>> -> memref<128xi32, #tpu.memory_space<vmem>>
      %dma_wait3A_672 = arith.constant 0 : i32
      %dma_wait3A_673 = arith.constant 0 : i32
      %dma_wait3A_674 = tpu.memref_slice %arg3[%dma_wait3A_672, %dma_wait3A_673] : memref<1000000x64xf32, #tpu.memory_space<hbm>> -> memref<1000000x64xf32, #tpu.memory_space<hbm>>
      tpu.wait_indirect_dma semaphore(%arg9 : memref<!tpu.dma_semaphore, #tpu.memory_space<semaphore_mem>>) src(%dma_wait3A_674 : memref<1000000x64xf32, #tpu.memory_space<hbm>>) dst(%dma_wait3A_668 : memref<128x64xf32, #tpu.memory_space<vmem>>)
      %mul3A_675 = arith.constant 4 : i32
      %mul3A_676 = arith.muli %add3A_444, %mul3A_675 : i32
      %add3A_677 = arith.constant 2 : i32
      %add3A_678 = arith.addi %mul3A_676, %add3A_677 : i32
      %dma_wait3A_679 = arith.constant 2 : i32
      %dma_wait3A_680 = arith.constant 0 : i32
      %dma_wait3A_681 = arith.constant 0 : i32
      %dma_wait3A_682 = tpu.memref_slice %arg7[%dma_wait3A_679, %dma_wait3A_680, %dma_wait3A_681] : memref<4x128x64xf32, #tpu.memory_space<vmem>> -> memref<1x128x64xf32, #tpu.memory_space<vmem>>
      %dma_wait3A_683 = tpu.memref_squeeze %dma_wait3A_682 : memref<1x128x64xf32, #tpu.memory_space<vmem>> -> memref<128x64xf32, #tpu.memory_space<vmem>>
      %dma_wait3A_684 = arith.constant 0 : i32
      %dma_wait3A_685 = tpu.memref_slice %arg5[%add3A_678, %dma_wait3A_684] : memref<200x128xi32, #tpu.memory_space<vmem>> -> memref<1x128xi32, #tpu.memory_space<vmem>>
      %dma_wait3A_686 = tpu.memref_squeeze %dma_wait3A_685 : memref<1x128xi32, #tpu.memory_space<vmem>> -> memref<128xi32, #tpu.memory_space<vmem>>
      %dma_wait3A_687 = arith.constant 0 : i32
      %dma_wait3A_688 = arith.constant 0 : i32
      %dma_wait3A_689 = tpu.memref_slice %arg3[%dma_wait3A_687, %dma_wait3A_688] : memref<1000000x64xf32, #tpu.memory_space<hbm>> -> memref<1000000x64xf32, #tpu.memory_space<hbm>>
      tpu.wait_indirect_dma semaphore(%arg9 : memref<!tpu.dma_semaphore, #tpu.memory_space<semaphore_mem>>) src(%dma_wait3A_689 : memref<1000000x64xf32, #tpu.memory_space<hbm>>) dst(%dma_wait3A_683 : memref<128x64xf32, #tpu.memory_space<vmem>>)
      %mul3A_690 = arith.constant 4 : i32
      %mul3A_691 = arith.muli %add3A_444, %mul3A_690 : i32
      %add3A_692 = arith.constant 3 : i32
      %add3A_693 = arith.addi %mul3A_691, %add3A_692 : i32
      %dma_wait3A_694 = arith.constant 3 : i32
      %dma_wait3A_695 = arith.constant 0 : i32
      %dma_wait3A_696 = arith.constant 0 : i32
      %dma_wait3A_697 = tpu.memref_slice %arg7[%dma_wait3A_694, %dma_wait3A_695, %dma_wait3A_696] : memref<4x128x64xf32, #tpu.memory_space<vmem>> -> memref<1x128x64xf32, #tpu.memory_space<vmem>>
      %dma_wait3A_698 = tpu.memref_squeeze %dma_wait3A_697 : memref<1x128x64xf32, #tpu.memory_space<vmem>> -> memref<128x64xf32, #tpu.memory_space<vmem>>
      %dma_wait3A_699 = arith.constant 0 : i32
      %dma_wait3A_700 = tpu.memref_slice %arg5[%add3A_693, %dma_wait3A_699] : memref<200x128xi32, #tpu.memory_space<vmem>> -> memref<1x128xi32, #tpu.memory_space<vmem>>
      %dma_wait3A_701 = tpu.memref_squeeze %dma_wait3A_700 : memref<1x128xi32, #tpu.memory_space<vmem>> -> memref<128xi32, #tpu.memory_space<vmem>>
      %dma_wait3A_702 = arith.constant 0 : i32
      %dma_wait3A_703 = arith.constant 0 : i32
      %dma_wait3A_704 = tpu.memref_slice %arg3[%dma_wait3A_702, %dma_wait3A_703] : memref<1000000x64xf32, #tpu.memory_space<hbm>> -> memref<1000000x64xf32, #tpu.memory_space<hbm>>
      tpu.wait_indirect_dma semaphore(%arg9 : memref<!tpu.dma_semaphore, #tpu.memory_space<semaphore_mem>>) src(%dma_wait3A_704 : memref<1000000x64xf32, #tpu.memory_space<hbm>>) dst(%dma_wait3A_698 : memref<128x64xf32, #tpu.memory_space<vmem>>)
      %mul3A_705 = arith.constant 4 : i32
      %mul3A_706 = arith.muli %add3A_444, %mul3A_705 : i32
      %add3A_707 = arith.constant 0 : i32
      %add3A_708 = arith.addi %mul3A_706, %add3A_707 : i32
      %mul3A_709 = arith.constant 128 : i32
      %mul3A_710 = arith.muli %add3A_708, %mul3A_709 : i32
      %add3A_711 = arith.addi %mul3A_2, %mul3A_710 : i32
      %dma_start3A_712 = arith.constant 0 : i32
      %dma_start3A_713 = arith.constant 0 : i32
      %dma_start3A_714 = arith.constant 0 : i32
      %dma_start3A_715 = tpu.memref_slice %arg7[%dma_start3A_712, %dma_start3A_713, %dma_start3A_714] : memref<4x128x64xf32, #tpu.memory_space<vmem>> -> memref<1x128x64xf32, #tpu.memory_space<vmem>>
      %dma_start3A_716 = tpu.memref_squeeze %dma_start3A_715 : memref<1x128x64xf32, #tpu.memory_space<vmem>> -> memref<128x64xf32, #tpu.memory_space<vmem>>
      %dma_start3A_717 = arith.constant 0 : i32
      %dma_start3A_718 = tpu.memref_slice %arg4[%add3A_711, %dma_start3A_717] : memref<819200x64xf32, #tpu.memory_space<hbm>> -> memref<128x64xf32, #tpu.memory_space<hbm>>
      %dma_start3A_719 = arith.constant 0 : i32
      %dma_start3A_720 = tpu.memref_slice %arg4[%add3A_711, %dma_start3A_719] : memref<819200x64xf32, #tpu.memory_space<hbm>> -> memref<128x64xf32, #tpu.memory_space<hbm>>
      %dma_start3A_721 = arith.constant 0 : i32
      %dma_start3A_722 = arith.constant 0 : i32
      %dma_start3A_723 = tpu.memref_slice %arg7[%dma_start3A_712, %dma_start3A_721, %dma_start3A_722] : memref<4x128x64xf32, #tpu.memory_space<vmem>> -> memref<1x128x64xf32, #tpu.memory_space<vmem>>
      %dma_start3A_724 = tpu.memref_squeeze %dma_start3A_723 : memref<1x128x64xf32, #tpu.memory_space<vmem>> -> memref<128x64xf32, #tpu.memory_space<vmem>>
      tpu.enqueue_dma source(%dma_start3A_724 : memref<128x64xf32, #tpu.memory_space<vmem>>) target(%dma_start3A_720 : memref<128x64xf32, #tpu.memory_space<hbm>>) target_semaphore(%arg11 : memref<!tpu.dma_semaphore, #tpu.memory_space<semaphore_mem>>)
      %mul3A_725 = arith.constant 4 : i32
      %mul3A_726 = arith.muli %add3A_444, %mul3A_725 : i32
      %add3A_727 = arith.constant 1 : i32
      %add3A_728 = arith.addi %mul3A_726, %add3A_727 : i32
      %mul3A_729 = arith.constant 128 : i32
      %mul3A_730 = arith.muli %add3A_728, %mul3A_729 : i32
      %add3A_731 = arith.addi %mul3A_2, %mul3A_730 : i32
      %dma_start3A_732 = arith.constant 1 : i32
      %dma_start3A_733 = arith.constant 0 : i32
      %dma_start3A_734 = arith.constant 0 : i32
      %dma_start3A_735 = tpu.memref_slice %arg7[%dma_start3A_732, %dma_start3A_733, %dma_start3A_734] : memref<4x128x64xf32, #tpu.memory_space<vmem>> -> memref<1x128x64xf32, #tpu.memory_space<vmem>>
      %dma_start3A_736 = tpu.memref_squeeze %dma_start3A_735 : memref<1x128x64xf32, #tpu.memory_space<vmem>> -> memref<128x64xf32, #tpu.memory_space<vmem>>
      %dma_start3A_737 = arith.constant 0 : i32
      %dma_start3A_738 = tpu.memref_slice %arg4[%add3A_731, %dma_start3A_737] : memref<819200x64xf32, #tpu.memory_space<hbm>> -> memref<128x64xf32, #tpu.memory_space<hbm>>
      %dma_start3A_739 = arith.constant 0 : i32
      %dma_start3A_740 = tpu.memref_slice %arg4[%add3A_731, %dma_start3A_739] : memref<819200x64xf32, #tpu.memory_space<hbm>> -> memref<128x64xf32, #tpu.memory_space<hbm>>
      %dma_start3A_741 = arith.constant 0 : i32
      %dma_start3A_742 = arith.constant 0 : i32
      %dma_start3A_743 = tpu.memref_slice %arg7[%dma_start3A_732, %dma_start3A_741, %dma_start3A_742] : memref<4x128x64xf32, #tpu.memory_space<vmem>> -> memref<1x128x64xf32, #tpu.memory_space<vmem>>
      %dma_start3A_744 = tpu.memref_squeeze %dma_start3A_743 : memref<1x128x64xf32, #tpu.memory_space<vmem>> -> memref<128x64xf32, #tpu.memory_space<vmem>>
      tpu.enqueue_dma source(%dma_start3A_744 : memref<128x64xf32, #tpu.memory_space<vmem>>) target(%dma_start3A_740 : memref<128x64xf32, #tpu.memory_space<hbm>>) target_semaphore(%arg11 : memref<!tpu.dma_semaphore, #tpu.memory_space<semaphore_mem>>)
      %mul3A_745 = arith.constant 4 : i32
      %mul3A_746 = arith.muli %add3A_444, %mul3A_745 : i32
      %add3A_747 = arith.constant 2 : i32
      %add3A_748 = arith.addi %mul3A_746, %add3A_747 : i32
      %mul3A_749 = arith.constant 128 : i32
      %mul3A_750 = arith.muli %add3A_748, %mul3A_749 : i32
      %add3A_751 = arith.addi %mul3A_2, %mul3A_750 : i32
      %dma_start3A_752 = arith.constant 2 : i32
      %dma_start3A_753 = arith.constant 0 : i32
      %dma_start3A_754 = arith.constant 0 : i32
      %dma_start3A_755 = tpu.memref_slice %arg7[%dma_start3A_752, %dma_start3A_753, %dma_start3A_754] : memref<4x128x64xf32, #tpu.memory_space<vmem>> -> memref<1x128x64xf32, #tpu.memory_space<vmem>>
      %dma_start3A_756 = tpu.memref_squeeze %dma_start3A_755 : memref<1x128x64xf32, #tpu.memory_space<vmem>> -> memref<128x64xf32, #tpu.memory_space<vmem>>
      %dma_start3A_757 = arith.constant 0 : i32
      %dma_start3A_758 = tpu.memref_slice %arg4[%add3A_751, %dma_start3A_757] : memref<819200x64xf32, #tpu.memory_space<hbm>> -> memref<128x64xf32, #tpu.memory_space<hbm>>
      %dma_start3A_759 = arith.constant 0 : i32
      %dma_start3A_760 = tpu.memref_slice %arg4[%add3A_751, %dma_start3A_759] : memref<819200x64xf32, #tpu.memory_space<hbm>> -> memref<128x64xf32, #tpu.memory_space<hbm>>
      %dma_start3A_761 = arith.constant 0 : i32
      %dma_start3A_762 = arith.constant 0 : i32
      %dma_start3A_763 = tpu.memref_slice %arg7[%dma_start3A_752, %dma_start3A_761, %dma_start3A_762] : memref<4x128x64xf32, #tpu.memory_space<vmem>> -> memref<1x128x64xf32, #tpu.memory_space<vmem>>
      %dma_start3A_764 = tpu.memref_squeeze %dma_start3A_763 : memref<1x128x64xf32, #tpu.memory_space<vmem>> -> memref<128x64xf32, #tpu.memory_space<vmem>>
      tpu.enqueue_dma source(%dma_start3A_764 : memref<128x64xf32, #tpu.memory_space<vmem>>) target(%dma_start3A_760 : memref<128x64xf32, #tpu.memory_space<hbm>>) target_semaphore(%arg11 : memref<!tpu.dma_semaphore, #tpu.memory_space<semaphore_mem>>)
      %mul3A_765 = arith.constant 4 : i32
      %mul3A_766 = arith.muli %add3A_444, %mul3A_765 : i32
      %add3A_767 = arith.constant 3 : i32
      %add3A_768 = arith.addi %mul3A_766, %add3A_767 : i32
      %mul3A_769 = arith.constant 128 : i32
      %mul3A_770 = arith.muli %add3A_768, %mul3A_769 : i32
      %add3A_771 = arith.addi %mul3A_2, %mul3A_770 : i32
      %dma_start3A_772 = arith.constant 3 : i32
      %dma_start3A_773 = arith.constant 0 : i32
      %dma_start3A_774 = arith.constant 0 : i32
      %dma_start3A_775 = tpu.memref_slice %arg7[%dma_start3A_772, %dma_start3A_773, %dma_start3A_774] : memref<4x128x64xf32, #tpu.memory_space<vmem>> -> memref<1x128x64xf32, #tpu.memory_space<vmem>>
      %dma_start3A_776 = tpu.memref_squeeze %dma_start3A_775 : memref<1x128x64xf32, #tpu.memory_space<vmem>> -> memref<128x64xf32, #tpu.memory_space<vmem>>
      %dma_start3A_777 = arith.constant 0 : i32
      %dma_start3A_778 = tpu.memref_slice %arg4[%add3A_771, %dma_start3A_777] : memref<819200x64xf32, #tpu.memory_space<hbm>> -> memref<128x64xf32, #tpu.memory_space<hbm>>
      %dma_start3A_779 = arith.constant 0 : i32
      %dma_start3A_780 = tpu.memref_slice %arg4[%add3A_771, %dma_start3A_779] : memref<819200x64xf32, #tpu.memory_space<hbm>> -> memref<128x64xf32, #tpu.memory_space<hbm>>
      %dma_start3A_781 = arith.constant 0 : i32
      %dma_start3A_782 = arith.constant 0 : i32
      %dma_start3A_783 = tpu.memref_slice %arg7[%dma_start3A_772, %dma_start3A_781, %dma_start3A_782] : memref<4x128x64xf32, #tpu.memory_space<vmem>> -> memref<1x128x64xf32, #tpu.memory_space<vmem>>
      %dma_start3A_784 = tpu.memref_squeeze %dma_start3A_783 : memref<1x128x64xf32, #tpu.memory_space<vmem>> -> memref<128x64xf32, #tpu.memory_space<vmem>>
      tpu.enqueue_dma source(%dma_start3A_784 : memref<128x64xf32, #tpu.memory_space<vmem>>) target(%dma_start3A_780 : memref<128x64xf32, #tpu.memory_space<hbm>>) target_semaphore(%arg11 : memref<!tpu.dma_semaphore, #tpu.memory_space<semaphore_mem>>)
      %mul3A_785 = arith.constant 4 : i32
      %mul3A_786 = arith.muli %mul3A_440, %mul3A_785 : i32
      %add3A_787 = arith.constant 0 : i32
      %add3A_788 = arith.addi %mul3A_786, %add3A_787 : i32
      %mul3A_789 = arith.constant 128 : i32
      %mul3A_790 = arith.muli %add3A_788, %mul3A_789 : i32
      %add3A_791 = arith.addi %mul3A_2, %mul3A_790 : i32
      %dma_wait3A_792 = arith.constant 0 : i32
      %dma_wait3A_793 = arith.constant 0 : i32
      %dma_wait3A_794 = arith.constant 0 : i32
      %dma_wait3A_795 = tpu.memref_slice %arg6[%dma_wait3A_792, %dma_wait3A_793, %dma_wait3A_794] : memref<4x128x64xf32, #tpu.memory_space<vmem>> -> memref<1x128x64xf32, #tpu.memory_space<vmem>>
      %dma_wait3A_796 = tpu.memref_squeeze %dma_wait3A_795 : memref<1x128x64xf32, #tpu.memory_space<vmem>> -> memref<128x64xf32, #tpu.memory_space<vmem>>
      %dma_wait3A_797 = arith.constant 0 : i32
      %dma_wait3A_798 = tpu.memref_slice %arg4[%add3A_791, %dma_wait3A_797] : memref<819200x64xf32, #tpu.memory_space<hbm>> -> memref<128x64xf32, #tpu.memory_space<hbm>>
      %dma_wait3A_799 = arith.constant 0 : i32
      %dma_wait3A_800 = tpu.memref_slice %arg4[%add3A_791, %dma_wait3A_799] : memref<819200x64xf32, #tpu.memory_space<hbm>> -> memref<128x64xf32, #tpu.memory_space<hbm>>
      %dma_wait3A_801 = arith.constant 0 : i32
      %dma_wait3A_802 = arith.constant 0 : i32
      %dma_wait3A_803 = tpu.memref_slice %arg6[%dma_wait3A_792, %dma_wait3A_801, %dma_wait3A_802] : memref<4x128x64xf32, #tpu.memory_space<vmem>> -> memref<1x128x64xf32, #tpu.memory_space<vmem>>
      %dma_wait3A_804 = tpu.memref_squeeze %dma_wait3A_803 : memref<1x128x64xf32, #tpu.memory_space<vmem>> -> memref<128x64xf32, #tpu.memory_space<vmem>>
      tpu.wait_dma2 semaphore(%arg10 : memref<!tpu.dma_semaphore, #tpu.memory_space<semaphore_mem>>) src(%dma_wait3A_804 : memref<128x64xf32, #tpu.memory_space<vmem>>) dst(%dma_wait3A_800 : memref<128x64xf32, #tpu.memory_space<hbm>>)
      %mul3A_805 = arith.constant 4 : i32
      %mul3A_806 = arith.muli %mul3A_440, %mul3A_805 : i32
      %add3A_807 = arith.constant 1 : i32
      %add3A_808 = arith.addi %mul3A_806, %add3A_807 : i32
      %mul3A_809 = arith.constant 128 : i32
      %mul3A_810 = arith.muli %add3A_808, %mul3A_809 : i32
      %add3A_811 = arith.addi %mul3A_2, %mul3A_810 : i32
      %dma_wait3A_812 = arith.constant 1 : i32
      %dma_wait3A_813 = arith.constant 0 : i32
      %dma_wait3A_814 = arith.constant 0 : i32
      %dma_wait3A_815 = tpu.memref_slice %arg6[%dma_wait3A_812, %dma_wait3A_813, %dma_wait3A_814] : memref<4x128x64xf32, #tpu.memory_space<vmem>> -> memref<1x128x64xf32, #tpu.memory_space<vmem>>
      %dma_wait3A_816 = tpu.memref_squeeze %dma_wait3A_815 : memref<1x128x64xf32, #tpu.memory_space<vmem>> -> memref<128x64xf32, #tpu.memory_space<vmem>>
      %dma_wait3A_817 = arith.constant 0 : i32
      %dma_wait3A_818 = tpu.memref_slice %arg4[%add3A_811, %dma_wait3A_817] : memref<819200x64xf32, #tpu.memory_space<hbm>> -> memref<128x64xf32, #tpu.memory_space<hbm>>
      %dma_wait3A_819 = arith.constant 0 : i32
      %dma_wait3A_820 = tpu.memref_slice %arg4[%add3A_811, %dma_wait3A_819] : memref<819200x64xf32, #tpu.memory_space<hbm>> -> memref<128x64xf32, #tpu.memory_space<hbm>>
      %dma_wait3A_821 = arith.constant 0 : i32
      %dma_wait3A_822 = arith.constant 0 : i32
      %dma_wait3A_823 = tpu.memref_slice %arg6[%dma_wait3A_812, %dma_wait3A_821, %dma_wait3A_822] : memref<4x128x64xf32, #tpu.memory_space<vmem>> -> memref<1x128x64xf32, #tpu.memory_space<vmem>>
      %dma_wait3A_824 = tpu.memref_squeeze %dma_wait3A_823 : memref<1x128x64xf32, #tpu.memory_space<vmem>> -> memref<128x64xf32, #tpu.memory_space<vmem>>
      tpu.wait_dma2 semaphore(%arg10 : memref<!tpu.dma_semaphore, #tpu.memory_space<semaphore_mem>>) src(%dma_wait3A_824 : memref<128x64xf32, #tpu.memory_space<vmem>>) dst(%dma_wait3A_820 : memref<128x64xf32, #tpu.memory_space<hbm>>)
      %mul3A_825 = arith.constant 4 : i32
      %mul3A_826 = arith.muli %mul3A_440, %mul3A_825 : i32
      %add3A_827 = arith.constant 2 : i32
      %add3A_828 = arith.addi %mul3A_826, %add3A_827 : i32
      %mul3A_829 = arith.constant 128 : i32
      %mul3A_830 = arith.muli %add3A_828, %mul3A_829 : i32
      %add3A_831 = arith.addi %mul3A_2, %mul3A_830 : i32
      %dma_wait3A_832 = arith.constant 2 : i32
      %dma_wait3A_833 = arith.constant 0 : i32
      %dma_wait3A_834 = arith.constant 0 : i32
      %dma_wait3A_835 = tpu.memref_slice %arg6[%dma_wait3A_832, %dma_wait3A_833, %dma_wait3A_834] : memref<4x128x64xf32, #tpu.memory_space<vmem>> -> memref<1x128x64xf32, #tpu.memory_space<vmem>>
      %dma_wait3A_836 = tpu.memref_squeeze %dma_wait3A_835 : memref<1x128x64xf32, #tpu.memory_space<vmem>> -> memref<128x64xf32, #tpu.memory_space<vmem>>
      %dma_wait3A_837 = arith.constant 0 : i32
      %dma_wait3A_838 = tpu.memref_slice %arg4[%add3A_831, %dma_wait3A_837] : memref<819200x64xf32, #tpu.memory_space<hbm>> -> memref<128x64xf32, #tpu.memory_space<hbm>>
      %dma_wait3A_839 = arith.constant 0 : i32
      %dma_wait3A_840 = tpu.memref_slice %arg4[%add3A_831, %dma_wait3A_839] : memref<819200x64xf32, #tpu.memory_space<hbm>> -> memref<128x64xf32, #tpu.memory_space<hbm>>
      %dma_wait3A_841 = arith.constant 0 : i32
      %dma_wait3A_842 = arith.constant 0 : i32
      %dma_wait3A_843 = tpu.memref_slice %arg6[%dma_wait3A_832, %dma_wait3A_841, %dma_wait3A_842] : memref<4x128x64xf32, #tpu.memory_space<vmem>> -> memref<1x128x64xf32, #tpu.memory_space<vmem>>
      %dma_wait3A_844 = tpu.memref_squeeze %dma_wait3A_843 : memref<1x128x64xf32, #tpu.memory_space<vmem>> -> memref<128x64xf32, #tpu.memory_space<vmem>>
      tpu.wait_dma2 semaphore(%arg10 : memref<!tpu.dma_semaphore, #tpu.memory_space<semaphore_mem>>) src(%dma_wait3A_844 : memref<128x64xf32, #tpu.memory_space<vmem>>) dst(%dma_wait3A_840 : memref<128x64xf32, #tpu.memory_space<hbm>>)
      %mul3A_845 = arith.constant 4 : i32
      %mul3A_846 = arith.muli %mul3A_440, %mul3A_845 : i32
      %add3A_847 = arith.constant 3 : i32
      %add3A_848 = arith.addi %mul3A_846, %add3A_847 : i32
      %mul3A_849 = arith.constant 128 : i32
      %mul3A_850 = arith.muli %add3A_848, %mul3A_849 : i32
      %add3A_851 = arith.addi %mul3A_2, %mul3A_850 : i32
      %dma_wait3A_852 = arith.constant 3 : i32
      %dma_wait3A_853 = arith.constant 0 : i32
      %dma_wait3A_854 = arith.constant 0 : i32
      %dma_wait3A_855 = tpu.memref_slice %arg6[%dma_wait3A_852, %dma_wait3A_853, %dma_wait3A_854] : memref<4x128x64xf32, #tpu.memory_space<vmem>> -> memref<1x128x64xf32, #tpu.memory_space<vmem>>
      %dma_wait3A_856 = tpu.memref_squeeze %dma_wait3A_855 : memref<1x128x64xf32, #tpu.memory_space<vmem>> -> memref<128x64xf32, #tpu.memory_space<vmem>>
      %dma_wait3A_857 = arith.constant 0 : i32
      %dma_wait3A_858 = tpu.memref_slice %arg4[%add3A_851, %dma_wait3A_857] : memref<819200x64xf32, #tpu.memory_space<hbm>> -> memref<128x64xf32, #tpu.memory_space<hbm>>
      %dma_wait3A_859 = arith.constant 0 : i32
      %dma_wait3A_860 = tpu.memref_slice %arg4[%add3A_851, %dma_wait3A_859] : memref<819200x64xf32, #tpu.memory_space<hbm>> -> memref<128x64xf32, #tpu.memory_space<hbm>>
      %dma_wait3A_861 = arith.constant 0 : i32
      %dma_wait3A_862 = arith.constant 0 : i32
      %dma_wait3A_863 = tpu.memref_slice %arg6[%dma_wait3A_852, %dma_wait3A_861, %dma_wait3A_862] : memref<4x128x64xf32, #tpu.memory_space<vmem>> -> memref<1x128x64xf32, #tpu.memory_space<vmem>>
      %dma_wait3A_864 = tpu.memref_squeeze %dma_wait3A_863 : memref<1x128x64xf32, #tpu.memory_space<vmem>> -> memref<128x64xf32, #tpu.memory_space<vmem>>
      tpu.wait_dma2 semaphore(%arg10 : memref<!tpu.dma_semaphore, #tpu.memory_space<semaphore_mem>>) src(%dma_wait3A_864 : memref<128x64xf32, #tpu.memory_space<vmem>>) dst(%dma_wait3A_860 : memref<128x64xf32, #tpu.memory_space<hbm>>)
      %add3A_865 = arith.constant 2 : i32
      %add3A_866 = arith.addi %mul3A_440, %add3A_865 : i32
      %mul3A_867 = arith.constant 4 : i32
      %mul3A_868 = arith.muli %add3A_866, %mul3A_867 : i32
      %add3A_869 = arith.constant 0 : i32
      %add3A_870 = arith.addi %mul3A_868, %add3A_869 : i32
      %dma_start3A_871 = arith.constant 0 : i32
      %dma_start3A_872 = arith.constant 0 : i32
      %dma_start3A_873 = arith.constant 0 : i32
      %dma_start3A_874 = tpu.memref_slice %arg6[%dma_start3A_871, %dma_start3A_872, %dma_start3A_873] : memref<4x128x64xf32, #tpu.memory_space<vmem>> -> memref<1x128x64xf32, #tpu.memory_space<vmem>>
      %dma_start3A_875 = tpu.memref_squeeze %dma_start3A_874 : memref<1x128x64xf32, #tpu.memory_space<vmem>> -> memref<128x64xf32, #tpu.memory_space<vmem>>
      %dma_start3A_876 = arith.constant 0 : i32
      %dma_start3A_877 = tpu.memref_slice %arg5[%add3A_870, %dma_start3A_876] : memref<200x128xi32, #tpu.memory_space<vmem>> -> memref<1x128xi32, #tpu.memory_space<vmem>>
      %dma_start3A_878 = tpu.memref_squeeze %dma_start3A_877 : memref<1x128xi32, #tpu.memory_space<vmem>> -> memref<128xi32, #tpu.memory_space<vmem>>
      %dma_start3A_879 = arith.constant 0 : i32
      %dma_start3A_880 = arith.constant 0 : i32
      %dma_start3A_881 = tpu.memref_slice %arg3[%dma_start3A_879, %dma_start3A_880] : memref<1000000x64xf32, #tpu.memory_space<hbm>> -> memref<1000000x64xf32, #tpu.memory_space<hbm>>
      tpu.enqueue_indirect_dma source(%dma_start3A_881 : memref<1000000x64xf32, #tpu.memory_space<hbm>>) target(%dma_start3A_875 : memref<128x64xf32, #tpu.memory_space<vmem>>) offsets(%dma_start3A_878 : memref<128xi32, #tpu.memory_space<vmem>>) semaphore(%arg8 : memref<!tpu.dma_semaphore, #tpu.memory_space<semaphore_mem>>)
      %mul3A_882 = arith.constant 4 : i32
      %mul3A_883 = arith.muli %add3A_866, %mul3A_882 : i32
      %add3A_884 = arith.constant 1 : i32
      %add3A_885 = arith.addi %mul3A_883, %add3A_884 : i32
      %dma_start3A_886 = arith.constant 1 : i32
      %dma_start3A_887 = arith.constant 0 : i32
      %dma_start3A_888 = arith.constant 0 : i32
      %dma_start3A_889 = tpu.memref_slice %arg6[%dma_start3A_886, %dma_start3A_887, %dma_start3A_888] : memref<4x128x64xf32, #tpu.memory_space<vmem>> -> memref<1x128x64xf32, #tpu.memory_space<vmem>>
      %dma_start3A_890 = tpu.memref_squeeze %dma_start3A_889 : memref<1x128x64xf32, #tpu.memory_space<vmem>> -> memref<128x64xf32, #tpu.memory_space<vmem>>
      %dma_start3A_891 = arith.constant 0 : i32
      %dma_start3A_892 = tpu.memref_slice %arg5[%add3A_885, %dma_start3A_891] : memref<200x128xi32, #tpu.memory_space<vmem>> -> memref<1x128xi32, #tpu.memory_space<vmem>>
      %dma_start3A_893 = tpu.memref_squeeze %dma_start3A_892 : memref<1x128xi32, #tpu.memory_space<vmem>> -> memref<128xi32, #tpu.memory_space<vmem>>
      %dma_start3A_894 = arith.constant 0 : i32
      %dma_start3A_895 = arith.constant 0 : i32
      %dma_start3A_896 = tpu.memref_slice %arg3[%dma_start3A_894, %dma_start3A_895] : memref<1000000x64xf32, #tpu.memory_space<hbm>> -> memref<1000000x64xf32, #tpu.memory_space<hbm>>
      tpu.enqueue_indirect_dma source(%dma_start3A_896 : memref<1000000x64xf32, #tpu.memory_space<hbm>>) target(%dma_start3A_890 : memref<128x64xf32, #tpu.memory_space<vmem>>) offsets(%dma_start3A_893 : memref<128xi32, #tpu.memory_space<vmem>>) semaphore(%arg8 : memref<!tpu.dma_semaphore, #tpu.memory_space<semaphore_mem>>)
      %mul3A_897 = arith.constant 4 : i32
      %mul3A_898 = arith.muli %add3A_866, %mul3A_897 : i32
      %add3A_899 = arith.constant 2 : i32
      %add3A_900 = arith.addi %mul3A_898, %add3A_899 : i32
      %dma_start3A_901 = arith.constant 2 : i32
      %dma_start3A_902 = arith.constant 0 : i32
      %dma_start3A_903 = arith.constant 0 : i32
      %dma_start3A_904 = tpu.memref_slice %arg6[%dma_start3A_901, %dma_start3A_902, %dma_start3A_903] : memref<4x128x64xf32, #tpu.memory_space<vmem>> -> memref<1x128x64xf32, #tpu.memory_space<vmem>>
      %dma_start3A_905 = tpu.memref_squeeze %dma_start3A_904 : memref<1x128x64xf32, #tpu.memory_space<vmem>> -> memref<128x64xf32, #tpu.memory_space<vmem>>
      %dma_start3A_906 = arith.constant 0 : i32
      %dma_start3A_907 = tpu.memref_slice %arg5[%add3A_900, %dma_start3A_906] : memref<200x128xi32, #tpu.memory_space<vmem>> -> memref<1x128xi32, #tpu.memory_space<vmem>>
      %dma_start3A_908 = tpu.memref_squeeze %dma_start3A_907 : memref<1x128xi32, #tpu.memory_space<vmem>> -> memref<128xi32, #tpu.memory_space<vmem>>
      %dma_start3A_909 = arith.constant 0 : i32
      %dma_start3A_910 = arith.constant 0 : i32
      %dma_start3A_911 = tpu.memref_slice %arg3[%dma_start3A_909, %dma_start3A_910] : memref<1000000x64xf32, #tpu.memory_space<hbm>> -> memref<1000000x64xf32, #tpu.memory_space<hbm>>
      tpu.enqueue_indirect_dma source(%dma_start3A_911 : memref<1000000x64xf32, #tpu.memory_space<hbm>>) target(%dma_start3A_905 : memref<128x64xf32, #tpu.memory_space<vmem>>) offsets(%dma_start3A_908 : memref<128xi32, #tpu.memory_space<vmem>>) semaphore(%arg8 : memref<!tpu.dma_semaphore, #tpu.memory_space<semaphore_mem>>)
      %mul3A_912 = arith.constant 4 : i32
      %mul3A_913 = arith.muli %add3A_866, %mul3A_912 : i32
      %add3A_914 = arith.constant 3 : i32
      %add3A_915 = arith.addi %mul3A_913, %add3A_914 : i32
      %dma_start3A_916 = arith.constant 3 : i32
      %dma_start3A_917 = arith.constant 0 : i32
      %dma_start3A_918 = arith.constant 0 : i32
      %dma_start3A_919 = tpu.memref_slice %arg6[%dma_start3A_916, %dma_start3A_917, %dma_start3A_918] : memref<4x128x64xf32, #tpu.memory_space<vmem>> -> memref<1x128x64xf32, #tpu.memory_space<vmem>>
      %dma_start3A_920 = tpu.memref_squeeze %dma_start3A_919 : memref<1x128x64xf32, #tpu.memory_space<vmem>> -> memref<128x64xf32, #tpu.memory_space<vmem>>
      %dma_start3A_921 = arith.constant 0 : i32
      %dma_start3A_922 = tpu.memref_slice %arg5[%add3A_915, %dma_start3A_921] : memref<200x128xi32, #tpu.memory_space<vmem>> -> memref<1x128xi32, #tpu.memory_space<vmem>>
      %dma_start3A_923 = tpu.memref_squeeze %dma_start3A_922 : memref<1x128xi32, #tpu.memory_space<vmem>> -> memref<128xi32, #tpu.memory_space<vmem>>
      %dma_start3A_924 = arith.constant 0 : i32
      %dma_start3A_925 = arith.constant 0 : i32
      %dma_start3A_926 = tpu.memref_slice %arg3[%dma_start3A_924, %dma_start3A_925] : memref<1000000x64xf32, #tpu.memory_space<hbm>> -> memref<1000000x64xf32, #tpu.memory_space<hbm>>
      tpu.enqueue_indirect_dma source(%dma_start3A_926 : memref<1000000x64xf32, #tpu.memory_space<hbm>>) target(%dma_start3A_920 : memref<128x64xf32, #tpu.memory_space<vmem>>) offsets(%dma_start3A_923 : memref<128xi32, #tpu.memory_space<vmem>>) semaphore(%arg8 : memref<!tpu.dma_semaphore, #tpu.memory_space<semaphore_mem>>)
      %mul3A_927 = arith.constant 4 : i32
      %mul3A_928 = arith.muli %add3A_444, %mul3A_927 : i32
      %add3A_929 = arith.constant 0 : i32
      %add3A_930 = arith.addi %mul3A_928, %add3A_929 : i32
      %mul3A_931 = arith.constant 128 : i32
      %mul3A_932 = arith.muli %add3A_930, %mul3A_931 : i32
      %add3A_933 = arith.addi %mul3A_2, %mul3A_932 : i32
      %dma_wait3A_934 = arith.constant 0 : i32
      %dma_wait3A_935 = arith.constant 0 : i32
      %dma_wait3A_936 = arith.constant 0 : i32
      %dma_wait3A_937 = tpu.memref_slice %arg7[%dma_wait3A_934, %dma_wait3A_935, %dma_wait3A_936] : memref<4x128x64xf32, #tpu.memory_space<vmem>> -> memref<1x128x64xf32, #tpu.memory_space<vmem>>
      %dma_wait3A_938 = tpu.memref_squeeze %dma_wait3A_937 : memref<1x128x64xf32, #tpu.memory_space<vmem>> -> memref<128x64xf32, #tpu.memory_space<vmem>>
      %dma_wait3A_939 = arith.constant 0 : i32
      %dma_wait3A_940 = tpu.memref_slice %arg4[%add3A_933, %dma_wait3A_939] : memref<819200x64xf32, #tpu.memory_space<hbm>> -> memref<128x64xf32, #tpu.memory_space<hbm>>
      %dma_wait3A_941 = arith.constant 0 : i32
      %dma_wait3A_942 = tpu.memref_slice %arg4[%add3A_933, %dma_wait3A_941] : memref<819200x64xf32, #tpu.memory_space<hbm>> -> memref<128x64xf32, #tpu.memory_space<hbm>>
      %dma_wait3A_943 = arith.constant 0 : i32
      %dma_wait3A_944 = arith.constant 0 : i32
      %dma_wait3A_945 = tpu.memref_slice %arg7[%dma_wait3A_934, %dma_wait3A_943, %dma_wait3A_944] : memref<4x128x64xf32, #tpu.memory_space<vmem>> -> memref<1x128x64xf32, #tpu.memory_space<vmem>>
      %dma_wait3A_946 = tpu.memref_squeeze %dma_wait3A_945 : memref<1x128x64xf32, #tpu.memory_space<vmem>> -> memref<128x64xf32, #tpu.memory_space<vmem>>
      tpu.wait_dma2 semaphore(%arg11 : memref<!tpu.dma_semaphore, #tpu.memory_space<semaphore_mem>>) src(%dma_wait3A_946 : memref<128x64xf32, #tpu.memory_space<vmem>>) dst(%dma_wait3A_942 : memref<128x64xf32, #tpu.memory_space<hbm>>)
      %mul3A_947 = arith.constant 4 : i32
      %mul3A_948 = arith.muli %add3A_444, %mul3A_947 : i32
      %add3A_949 = arith.constant 1 : i32
      %add3A_950 = arith.addi %mul3A_948, %add3A_949 : i32
      %mul3A_951 = arith.constant 128 : i32
      %mul3A_952 = arith.muli %add3A_950, %mul3A_951 : i32
      %add3A_953 = arith.addi %mul3A_2, %mul3A_952 : i32
      %dma_wait3A_954 = arith.constant 1 : i32
      %dma_wait3A_955 = arith.constant 0 : i32
      %dma_wait3A_956 = arith.constant 0 : i32
      %dma_wait3A_957 = tpu.memref_slice %arg7[%dma_wait3A_954, %dma_wait3A_955, %dma_wait3A_956] : memref<4x128x64xf32, #tpu.memory_space<vmem>> -> memref<1x128x64xf32, #tpu.memory_space<vmem>>
      %dma_wait3A_958 = tpu.memref_squeeze %dma_wait3A_957 : memref<1x128x64xf32, #tpu.memory_space<vmem>> -> memref<128x64xf32, #tpu.memory_space<vmem>>
      %dma_wait3A_959 = arith.constant 0 : i32
      %dma_wait3A_960 = tpu.memref_slice %arg4[%add3A_953, %dma_wait3A_959] : memref<819200x64xf32, #tpu.memory_space<hbm>> -> memref<128x64xf32, #tpu.memory_space<hbm>>
      %dma_wait3A_961 = arith.constant 0 : i32
      %dma_wait3A_962 = tpu.memref_slice %arg4[%add3A_953, %dma_wait3A_961] : memref<819200x64xf32, #tpu.memory_space<hbm>> -> memref<128x64xf32, #tpu.memory_space<hbm>>
      %dma_wait3A_963 = arith.constant 0 : i32
      %dma_wait3A_964 = arith.constant 0 : i32
      %dma_wait3A_965 = tpu.memref_slice %arg7[%dma_wait3A_954, %dma_wait3A_963, %dma_wait3A_964] : memref<4x128x64xf32, #tpu.memory_space<vmem>> -> memref<1x128x64xf32, #tpu.memory_space<vmem>>
      %dma_wait3A_966 = tpu.memref_squeeze %dma_wait3A_965 : memref<1x128x64xf32, #tpu.memory_space<vmem>> -> memref<128x64xf32, #tpu.memory_space<vmem>>
      tpu.wait_dma2 semaphore(%arg11 : memref<!tpu.dma_semaphore, #tpu.memory_space<semaphore_mem>>) src(%dma_wait3A_966 : memref<128x64xf32, #tpu.memory_space<vmem>>) dst(%dma_wait3A_962 : memref<128x64xf32, #tpu.memory_space<hbm>>)
      %mul3A_967 = arith.constant 4 : i32
      %mul3A_968 = arith.muli %add3A_444, %mul3A_967 : i32
      %add3A_969 = arith.constant 2 : i32
      %add3A_970 = arith.addi %mul3A_968, %add3A_969 : i32
      %mul3A_971 = arith.constant 128 : i32
      %mul3A_972 = arith.muli %add3A_970, %mul3A_971 : i32
      %add3A_973 = arith.addi %mul3A_2, %mul3A_972 : i32
      %dma_wait3A_974 = arith.constant 2 : i32
      %dma_wait3A_975 = arith.constant 0 : i32
      %dma_wait3A_976 = arith.constant 0 : i32
      %dma_wait3A_977 = tpu.memref_slice %arg7[%dma_wait3A_974, %dma_wait3A_975, %dma_wait3A_976] : memref<4x128x64xf32, #tpu.memory_space<vmem>> -> memref<1x128x64xf32, #tpu.memory_space<vmem>>
      %dma_wait3A_978 = tpu.memref_squeeze %dma_wait3A_977 : memref<1x128x64xf32, #tpu.memory_space<vmem>> -> memref<128x64xf32, #tpu.memory_space<vmem>>
      %dma_wait3A_979 = arith.constant 0 : i32
      %dma_wait3A_980 = tpu.memref_slice %arg4[%add3A_973, %dma_wait3A_979] : memref<819200x64xf32, #tpu.memory_space<hbm>> -> memref<128x64xf32, #tpu.memory_space<hbm>>
      %dma_wait3A_981 = arith.constant 0 : i32
      %dma_wait3A_982 = tpu.memref_slice %arg4[%add3A_973, %dma_wait3A_981] : memref<819200x64xf32, #tpu.memory_space<hbm>> -> memref<128x64xf32, #tpu.memory_space<hbm>>
      %dma_wait3A_983 = arith.constant 0 : i32
      %dma_wait3A_984 = arith.constant 0 : i32
      %dma_wait3A_985 = tpu.memref_slice %arg7[%dma_wait3A_974, %dma_wait3A_983, %dma_wait3A_984] : memref<4x128x64xf32, #tpu.memory_space<vmem>> -> memref<1x128x64xf32, #tpu.memory_space<vmem>>
      %dma_wait3A_986 = tpu.memref_squeeze %dma_wait3A_985 : memref<1x128x64xf32, #tpu.memory_space<vmem>> -> memref<128x64xf32, #tpu.memory_space<vmem>>
      tpu.wait_dma2 semaphore(%arg11 : memref<!tpu.dma_semaphore, #tpu.memory_space<semaphore_mem>>) src(%dma_wait3A_986 : memref<128x64xf32, #tpu.memory_space<vmem>>) dst(%dma_wait3A_982 : memref<128x64xf32, #tpu.memory_space<hbm>>)
      %mul3A_987 = arith.constant 4 : i32
      %mul3A_988 = arith.muli %add3A_444, %mul3A_987 : i32
      %add3A_989 = arith.constant 3 : i32
      %add3A_990 = arith.addi %mul3A_988, %add3A_989 : i32
      %mul3A_991 = arith.constant 128 : i32
      %mul3A_992 = arith.muli %add3A_990, %mul3A_991 : i32
      %add3A_993 = arith.addi %mul3A_2, %mul3A_992 : i32
      %dma_wait3A_994 = arith.constant 3 : i32
      %dma_wait3A_995 = arith.constant 0 : i32
      %dma_wait3A_996 = arith.constant 0 : i32
      %dma_wait3A_997 = tpu.memref_slice %arg7[%dma_wait3A_994, %dma_wait3A_995, %dma_wait3A_996] : memref<4x128x64xf32, #tpu.memory_space<vmem>> -> memref<1x128x64xf32, #tpu.memory_space<vmem>>
      %dma_wait3A_998 = tpu.memref_squeeze %dma_wait3A_997 : memref<1x128x64xf32, #tpu.memory_space<vmem>> -> memref<128x64xf32, #tpu.memory_space<vmem>>
      %dma_wait3A_999 = arith.constant 0 : i32
      %dma_wait3A_1000 = tpu.memref_slice %arg4[%add3A_993, %dma_wait3A_999] : memref<819200x64xf32, #tpu.memory_space<hbm>> -> memref<128x64xf32, #tpu.memory_space<hbm>>
      %dma_wait3A_1001 = arith.constant 0 : i32
      %dma_wait3A_1002 = tpu.memref_slice %arg4[%add3A_993, %dma_wait3A_1001] : memref<819200x64xf32, #tpu.memory_space<hbm>> -> memref<128x64xf32, #tpu.memory_space<hbm>>
      %dma_wait3A_1003 = arith.constant 0 : i32
      %dma_wait3A_1004 = arith.constant 0 : i32
      %dma_wait3A_1005 = tpu.memref_slice %arg7[%dma_wait3A_994, %dma_wait3A_1003, %dma_wait3A_1004] : memref<4x128x64xf32, #tpu.memory_space<vmem>> -> memref<1x128x64xf32, #tpu.memory_space<vmem>>
      %dma_wait3A_1006 = tpu.memref_squeeze %dma_wait3A_1005 : memref<1x128x64xf32, #tpu.memory_space<vmem>> -> memref<128x64xf32, #tpu.memory_space<vmem>>
      tpu.wait_dma2 semaphore(%arg11 : memref<!tpu.dma_semaphore, #tpu.memory_space<semaphore_mem>>) src(%dma_wait3A_1006 : memref<128x64xf32, #tpu.memory_space<vmem>>) dst(%dma_wait3A_1002 : memref<128x64xf32, #tpu.memory_space<hbm>>)
    }
    %scan3A_54 = arith.constant 24 : i32
    %dma_start3A_55 = arith.constant 196 : i32
    %dma_start3A_56 = arith.constant 0 : i32
    %dma_start3A_57 = arith.constant 0 : i32
    %dma_start3A_58 = arith.constant 0 : i32
    %dma_start3A_59 = tpu.memref_slice %arg7[%dma_start3A_56, %dma_start3A_57, %dma_start3A_58] : memref<4x128x64xf32, #tpu.memory_space<vmem>> -> memref<1x128x64xf32, #tpu.memory_space<vmem>>
    %dma_start3A_60 = tpu.memref_squeeze %dma_start3A_59 : memref<1x128x64xf32, #tpu.memory_space<vmem>> -> memref<128x64xf32, #tpu.memory_space<vmem>>
    %dma_start3A_61 = arith.constant 0 : i32
    %dma_start3A_62 = tpu.memref_slice %arg5[%dma_start3A_55, %dma_start3A_61] : memref<200x128xi32, #tpu.memory_space<vmem>> -> memref<1x128xi32, #tpu.memory_space<vmem>>
    %dma_start3A_63 = tpu.memref_squeeze %dma_start3A_62 : memref<1x128xi32, #tpu.memory_space<vmem>> -> memref<128xi32, #tpu.memory_space<vmem>>
    %dma_start3A_64 = arith.constant 0 : i32
    %dma_start3A_65 = arith.constant 0 : i32
    %dma_start3A_66 = tpu.memref_slice %arg3[%dma_start3A_64, %dma_start3A_65] : memref<1000000x64xf32, #tpu.memory_space<hbm>> -> memref<1000000x64xf32, #tpu.memory_space<hbm>>
    tpu.enqueue_indirect_dma source(%dma_start3A_66 : memref<1000000x64xf32, #tpu.memory_space<hbm>>) target(%dma_start3A_60 : memref<128x64xf32, #tpu.memory_space<vmem>>) offsets(%dma_start3A_63 : memref<128xi32, #tpu.memory_space<vmem>>) semaphore(%arg9 : memref<!tpu.dma_semaphore, #tpu.memory_space<semaphore_mem>>)
    %dma_start3A_67 = arith.constant 197 : i32
    %dma_start3A_68 = arith.constant 1 : i32
    %dma_start3A_69 = arith.constant 0 : i32
    %dma_start3A_70 = arith.constant 0 : i32
    %dma_start3A_71 = tpu.memref_slice %arg7[%dma_start3A_68, %dma_start3A_69, %dma_start3A_70] : memref<4x128x64xf32, #tpu.memory_space<vmem>> -> memref<1x128x64xf32, #tpu.memory_space<vmem>>
    %dma_start3A_72 = tpu.memref_squeeze %dma_start3A_71 : memref<1x128x64xf32, #tpu.memory_space<vmem>> -> memref<128x64xf32, #tpu.memory_space<vmem>>
    %dma_start3A_73 = arith.constant 0 : i32
    %dma_start3A_74 = tpu.memref_slice %arg5[%dma_start3A_67, %dma_start3A_73] : memref<200x128xi32, #tpu.memory_space<vmem>> -> memref<1x128xi32, #tpu.memory_space<vmem>>
    %dma_start3A_75 = tpu.memref_squeeze %dma_start3A_74 : memref<1x128xi32, #tpu.memory_space<vmem>> -> memref<128xi32, #tpu.memory_space<vmem>>
    %dma_start3A_76 = arith.constant 0 : i32
    %dma_start3A_77 = arith.constant 0 : i32
    %dma_start3A_78 = tpu.memref_slice %arg3[%dma_start3A_76, %dma_start3A_77] : memref<1000000x64xf32, #tpu.memory_space<hbm>> -> memref<1000000x64xf32, #tpu.memory_space<hbm>>
    tpu.enqueue_indirect_dma source(%dma_start3A_78 : memref<1000000x64xf32, #tpu.memory_space<hbm>>) target(%dma_start3A_72 : memref<128x64xf32, #tpu.memory_space<vmem>>) offsets(%dma_start3A_75 : memref<128xi32, #tpu.memory_space<vmem>>) semaphore(%arg9 : memref<!tpu.dma_semaphore, #tpu.memory_space<semaphore_mem>>)
    %dma_start3A_79 = arith.constant 198 : i32
    %dma_start3A_80 = arith.constant 2 : i32
    %dma_start3A_81 = arith.constant 0 : i32
    %dma_start3A_82 = arith.constant 0 : i32
    %dma_start3A_83 = tpu.memref_slice %arg7[%dma_start3A_80, %dma_start3A_81, %dma_start3A_82] : memref<4x128x64xf32, #tpu.memory_space<vmem>> -> memref<1x128x64xf32, #tpu.memory_space<vmem>>
    %dma_start3A_84 = tpu.memref_squeeze %dma_start3A_83 : memref<1x128x64xf32, #tpu.memory_space<vmem>> -> memref<128x64xf32, #tpu.memory_space<vmem>>
    %dma_start3A_85 = arith.constant 0 : i32
    %dma_start3A_86 = tpu.memref_slice %arg5[%dma_start3A_79, %dma_start3A_85] : memref<200x128xi32, #tpu.memory_space<vmem>> -> memref<1x128xi32, #tpu.memory_space<vmem>>
    %dma_start3A_87 = tpu.memref_squeeze %dma_start3A_86 : memref<1x128xi32, #tpu.memory_space<vmem>> -> memref<128xi32, #tpu.memory_space<vmem>>
    %dma_start3A_88 = arith.constant 0 : i32
    %dma_start3A_89 = arith.constant 0 : i32
    %dma_start3A_90 = tpu.memref_slice %arg3[%dma_start3A_88, %dma_start3A_89] : memref<1000000x64xf32, #tpu.memory_space<hbm>> -> memref<1000000x64xf32, #tpu.memory_space<hbm>>
    tpu.enqueue_indirect_dma source(%dma_start3A_90 : memref<1000000x64xf32, #tpu.memory_space<hbm>>) target(%dma_start3A_84 : memref<128x64xf32, #tpu.memory_space<vmem>>) offsets(%dma_start3A_87 : memref<128xi32, #tpu.memory_space<vmem>>) semaphore(%arg9 : memref<!tpu.dma_semaphore, #tpu.memory_space<semaphore_mem>>)
    %dma_start3A_91 = arith.constant 199 : i32
    %dma_start3A_92 = arith.constant 3 : i32
    %dma_start3A_93 = arith.constant 0 : i32
    %dma_start3A_94 = arith.constant 0 : i32
    %dma_start3A_95 = tpu.memref_slice %arg7[%dma_start3A_92, %dma_start3A_93, %dma_start3A_94] : memref<4x128x64xf32, #tpu.memory_space<vmem>> -> memref<1x128x64xf32, #tpu.memory_space<vmem>>
    %dma_start3A_96 = tpu.memref_squeeze %dma_start3A_95 : memref<1x128x64xf32, #tpu.memory_space<vmem>> -> memref<128x64xf32, #tpu.memory_space<vmem>>
    %dma_start3A_97 = arith.constant 0 : i32
    %dma_start3A_98 = tpu.memref_slice %arg5[%dma_start3A_91, %dma_start3A_97] : memref<200x128xi32, #tpu.memory_space<vmem>> -> memref<1x128xi32, #tpu.memory_space<vmem>>
    %dma_start3A_99 = tpu.memref_squeeze %dma_start3A_98 : memref<1x128xi32, #tpu.memory_space<vmem>> -> memref<128xi32, #tpu.memory_space<vmem>>
    %dma_start3A_100 = arith.constant 0 : i32
    %dma_start3A_101 = arith.constant 0 : i32
    %dma_start3A_102 = tpu.memref_slice %arg3[%dma_start3A_100, %dma_start3A_101] : memref<1000000x64xf32, #tpu.memory_space<hbm>> -> memref<1000000x64xf32, #tpu.memory_space<hbm>>
    tpu.enqueue_indirect_dma source(%dma_start3A_102 : memref<1000000x64xf32, #tpu.memory_space<hbm>>) target(%dma_start3A_96 : memref<128x64xf32, #tpu.memory_space<vmem>>) offsets(%dma_start3A_99 : memref<128xi32, #tpu.memory_space<vmem>>) semaphore(%arg9 : memref<!tpu.dma_semaphore, #tpu.memory_space<semaphore_mem>>)
    %dma_wait3A = arith.constant 192 : i32
    %dma_wait3A_103 = arith.constant 0 : i32
    %dma_wait3A_104 = arith.constant 0 : i32
    %dma_wait3A_105 = arith.constant 0 : i32
    %dma_wait3A_106 = tpu.memref_slice %arg6[%dma_wait3A_103, %dma_wait3A_104, %dma_wait3A_105] : memref<4x128x64xf32, #tpu.memory_space<vmem>> -> memref<1x128x64xf32, #tpu.memory_space<vmem>>
    %dma_wait3A_107 = tpu.memref_squeeze %dma_wait3A_106 : memref<1x128x64xf32, #tpu.memory_space<vmem>> -> memref<128x64xf32, #tpu.memory_space<vmem>>
    %dma_wait3A_108 = arith.constant 0 : i32
    %dma_wait3A_109 = tpu.memref_slice %arg5[%dma_wait3A, %dma_wait3A_108] : memref<200x128xi32, #tpu.memory_space<vmem>> -> memref<1x128xi32, #tpu.memory_space<vmem>>
    %dma_wait3A_110 = tpu.memref_squeeze %dma_wait3A_109 : memref<1x128xi32, #tpu.memory_space<vmem>> -> memref<128xi32, #tpu.memory_space<vmem>>
    %dma_wait3A_111 = arith.constant 0 : i32
    %dma_wait3A_112 = arith.constant 0 : i32
    %dma_wait3A_113 = tpu.memref_slice %arg3[%dma_wait3A_111, %dma_wait3A_112] : memref<1000000x64xf32, #tpu.memory_space<hbm>> -> memref<1000000x64xf32, #tpu.memory_space<hbm>>
    tpu.wait_indirect_dma semaphore(%arg8 : memref<!tpu.dma_semaphore, #tpu.memory_space<semaphore_mem>>) src(%dma_wait3A_113 : memref<1000000x64xf32, #tpu.memory_space<hbm>>) dst(%dma_wait3A_107 : memref<128x64xf32, #tpu.memory_space<vmem>>)
    %dma_wait3A_114 = arith.constant 193 : i32
    %dma_wait3A_115 = arith.constant 1 : i32
    %dma_wait3A_116 = arith.constant 0 : i32
    %dma_wait3A_117 = arith.constant 0 : i32
    %dma_wait3A_118 = tpu.memref_slice %arg6[%dma_wait3A_115, %dma_wait3A_116, %dma_wait3A_117] : memref<4x128x64xf32, #tpu.memory_space<vmem>> -> memref<1x128x64xf32, #tpu.memory_space<vmem>>
    %dma_wait3A_119 = tpu.memref_squeeze %dma_wait3A_118 : memref<1x128x64xf32, #tpu.memory_space<vmem>> -> memref<128x64xf32, #tpu.memory_space<vmem>>
    %dma_wait3A_120 = arith.constant 0 : i32
    %dma_wait3A_121 = tpu.memref_slice %arg5[%dma_wait3A_114, %dma_wait3A_120] : memref<200x128xi32, #tpu.memory_space<vmem>> -> memref<1x128xi32, #tpu.memory_space<vmem>>
    %dma_wait3A_122 = tpu.memref_squeeze %dma_wait3A_121 : memref<1x128xi32, #tpu.memory_space<vmem>> -> memref<128xi32, #tpu.memory_space<vmem>>
    %dma_wait3A_123 = arith.constant 0 : i32
    %dma_wait3A_124 = arith.constant 0 : i32
    %dma_wait3A_125 = tpu.memref_slice %arg3[%dma_wait3A_123, %dma_wait3A_124] : memref<1000000x64xf32, #tpu.memory_space<hbm>> -> memref<1000000x64xf32, #tpu.memory_space<hbm>>
    tpu.wait_indirect_dma semaphore(%arg8 : memref<!tpu.dma_semaphore, #tpu.memory_space<semaphore_mem>>) src(%dma_wait3A_125 : memref<1000000x64xf32, #tpu.memory_space<hbm>>) dst(%dma_wait3A_119 : memref<128x64xf32, #tpu.memory_space<vmem>>)
    %dma_wait3A_126 = arith.constant 194 : i32
    %dma_wait3A_127 = arith.constant 2 : i32
    %dma_wait3A_128 = arith.constant 0 : i32
    %dma_wait3A_129 = arith.constant 0 : i32
    %dma_wait3A_130 = tpu.memref_slice %arg6[%dma_wait3A_127, %dma_wait3A_128, %dma_wait3A_129] : memref<4x128x64xf32, #tpu.memory_space<vmem>> -> memref<1x128x64xf32, #tpu.memory_space<vmem>>
    %dma_wait3A_131 = tpu.memref_squeeze %dma_wait3A_130 : memref<1x128x64xf32, #tpu.memory_space<vmem>> -> memref<128x64xf32, #tpu.memory_space<vmem>>
    %dma_wait3A_132 = arith.constant 0 : i32
    %dma_wait3A_133 = tpu.memref_slice %arg5[%dma_wait3A_126, %dma_wait3A_132] : memref<200x128xi32, #tpu.memory_space<vmem>> -> memref<1x128xi32, #tpu.memory_space<vmem>>
    %dma_wait3A_134 = tpu.memref_squeeze %dma_wait3A_133 : memref<1x128xi32, #tpu.memory_space<vmem>> -> memref<128xi32, #tpu.memory_space<vmem>>
    %dma_wait3A_135 = arith.constant 0 : i32
    %dma_wait3A_136 = arith.constant 0 : i32
    %dma_wait3A_137 = tpu.memref_slice %arg3[%dma_wait3A_135, %dma_wait3A_136] : memref<1000000x64xf32, #tpu.memory_space<hbm>> -> memref<1000000x64xf32, #tpu.memory_space<hbm>>
    tpu.wait_indirect_dma semaphore(%arg8 : memref<!tpu.dma_semaphore, #tpu.memory_space<semaphore_mem>>) src(%dma_wait3A_137 : memref<1000000x64xf32, #tpu.memory_space<hbm>>) dst(%dma_wait3A_131 : memref<128x64xf32, #tpu.memory_space<vmem>>)
    %dma_wait3A_138 = arith.constant 195 : i32
    %dma_wait3A_139 = arith.constant 3 : i32
    %dma_wait3A_140 = arith.constant 0 : i32
    %dma_wait3A_141 = arith.constant 0 : i32
    %dma_wait3A_142 = tpu.memref_slice %arg6[%dma_wait3A_139, %dma_wait3A_140, %dma_wait3A_141] : memref<4x128x64xf32, #tpu.memory_space<vmem>> -> memref<1x128x64xf32, #tpu.memory_space<vmem>>
    %dma_wait3A_143 = tpu.memref_squeeze %dma_wait3A_142 : memref<1x128x64xf32, #tpu.memory_space<vmem>> -> memref<128x64xf32, #tpu.memory_space<vmem>>
    %dma_wait3A_144 = arith.constant 0 : i32
    %dma_wait3A_145 = tpu.memref_slice %arg5[%dma_wait3A_138, %dma_wait3A_144] : memref<200x128xi32, #tpu.memory_space<vmem>> -> memref<1x128xi32, #tpu.memory_space<vmem>>
    %dma_wait3A_146 = tpu.memref_squeeze %dma_wait3A_145 : memref<1x128xi32, #tpu.memory_space<vmem>> -> memref<128xi32, #tpu.memory_space<vmem>>
    %dma_wait3A_147 = arith.constant 0 : i32
    %dma_wait3A_148 = arith.constant 0 : i32
    %dma_wait3A_149 = tpu.memref_slice %arg3[%dma_wait3A_147, %dma_wait3A_148] : memref<1000000x64xf32, #tpu.memory_space<hbm>> -> memref<1000000x64xf32, #tpu.memory_space<hbm>>
    tpu.wait_indirect_dma semaphore(%arg8 : memref<!tpu.dma_semaphore, #tpu.memory_space<semaphore_mem>>) src(%dma_wait3A_149 : memref<1000000x64xf32, #tpu.memory_space<hbm>>) dst(%dma_wait3A_143 : memref<128x64xf32, #tpu.memory_space<vmem>>)
    %add3A_150 = arith.constant 24576 : i32
    %add3A_151 = arith.addi %mul3A_2, %add3A_150 : i32
    %dma_start3A_152 = arith.constant 0 : i32
    %dma_start3A_153 = arith.constant 0 : i32
    %dma_start3A_154 = arith.constant 0 : i32
    %dma_start3A_155 = tpu.memref_slice %arg6[%dma_start3A_152, %dma_start3A_153, %dma_start3A_154] : memref<4x128x64xf32, #tpu.memory_space<vmem>> -> memref<1x128x64xf32, #tpu.memory_space<vmem>>
    %dma_start3A_156 = tpu.memref_squeeze %dma_start3A_155 : memref<1x128x64xf32, #tpu.memory_space<vmem>> -> memref<128x64xf32, #tpu.memory_space<vmem>>
    %dma_start3A_157 = arith.constant 0 : i32
    %dma_start3A_158 = tpu.memref_slice %arg4[%add3A_151, %dma_start3A_157] : memref<819200x64xf32, #tpu.memory_space<hbm>> -> memref<128x64xf32, #tpu.memory_space<hbm>>
    %dma_start3A_159 = arith.constant 0 : i32
    %dma_start3A_160 = tpu.memref_slice %arg4[%add3A_151, %dma_start3A_159] : memref<819200x64xf32, #tpu.memory_space<hbm>> -> memref<128x64xf32, #tpu.memory_space<hbm>>
    %dma_start3A_161 = arith.constant 0 : i32
    %dma_start3A_162 = arith.constant 0 : i32
    %dma_start3A_163 = tpu.memref_slice %arg6[%dma_start3A_152, %dma_start3A_161, %dma_start3A_162] : memref<4x128x64xf32, #tpu.memory_space<vmem>> -> memref<1x128x64xf32, #tpu.memory_space<vmem>>
    %dma_start3A_164 = tpu.memref_squeeze %dma_start3A_163 : memref<1x128x64xf32, #tpu.memory_space<vmem>> -> memref<128x64xf32, #tpu.memory_space<vmem>>
    tpu.enqueue_dma source(%dma_start3A_164 : memref<128x64xf32, #tpu.memory_space<vmem>>) target(%dma_start3A_160 : memref<128x64xf32, #tpu.memory_space<hbm>>) target_semaphore(%arg10 : memref<!tpu.dma_semaphore, #tpu.memory_space<semaphore_mem>>)
    %add3A_165 = arith.constant 24704 : i32
    %add3A_166 = arith.addi %mul3A_2, %add3A_165 : i32
    %dma_start3A_167 = arith.constant 1 : i32
    %dma_start3A_168 = arith.constant 0 : i32
    %dma_start3A_169 = arith.constant 0 : i32
    %dma_start3A_170 = tpu.memref_slice %arg6[%dma_start3A_167, %dma_start3A_168, %dma_start3A_169] : memref<4x128x64xf32, #tpu.memory_space<vmem>> -> memref<1x128x64xf32, #tpu.memory_space<vmem>>
    %dma_start3A_171 = tpu.memref_squeeze %dma_start3A_170 : memref<1x128x64xf32, #tpu.memory_space<vmem>> -> memref<128x64xf32, #tpu.memory_space<vmem>>
    %dma_start3A_172 = arith.constant 0 : i32
    %dma_start3A_173 = tpu.memref_slice %arg4[%add3A_166, %dma_start3A_172] : memref<819200x64xf32, #tpu.memory_space<hbm>> -> memref<128x64xf32, #tpu.memory_space<hbm>>
    %dma_start3A_174 = arith.constant 0 : i32
    %dma_start3A_175 = tpu.memref_slice %arg4[%add3A_166, %dma_start3A_174] : memref<819200x64xf32, #tpu.memory_space<hbm>> -> memref<128x64xf32, #tpu.memory_space<hbm>>
    %dma_start3A_176 = arith.constant 0 : i32
    %dma_start3A_177 = arith.constant 0 : i32
    %dma_start3A_178 = tpu.memref_slice %arg6[%dma_start3A_167, %dma_start3A_176, %dma_start3A_177] : memref<4x128x64xf32, #tpu.memory_space<vmem>> -> memref<1x128x64xf32, #tpu.memory_space<vmem>>
    %dma_start3A_179 = tpu.memref_squeeze %dma_start3A_178 : memref<1x128x64xf32, #tpu.memory_space<vmem>> -> memref<128x64xf32, #tpu.memory_space<vmem>>
    tpu.enqueue_dma source(%dma_start3A_179 : memref<128x64xf32, #tpu.memory_space<vmem>>) target(%dma_start3A_175 : memref<128x64xf32, #tpu.memory_space<hbm>>) target_semaphore(%arg10 : memref<!tpu.dma_semaphore, #tpu.memory_space<semaphore_mem>>)
    %add3A_180 = arith.constant 24832 : i32
    %add3A_181 = arith.addi %mul3A_2, %add3A_180 : i32
    %dma_start3A_182 = arith.constant 2 : i32
    %dma_start3A_183 = arith.constant 0 : i32
    %dma_start3A_184 = arith.constant 0 : i32
    %dma_start3A_185 = tpu.memref_slice %arg6[%dma_start3A_182, %dma_start3A_183, %dma_start3A_184] : memref<4x128x64xf32, #tpu.memory_space<vmem>> -> memref<1x128x64xf32, #tpu.memory_space<vmem>>
    %dma_start3A_186 = tpu.memref_squeeze %dma_start3A_185 : memref<1x128x64xf32, #tpu.memory_space<vmem>> -> memref<128x64xf32, #tpu.memory_space<vmem>>
    %dma_start3A_187 = arith.constant 0 : i32
    %dma_start3A_188 = tpu.memref_slice %arg4[%add3A_181, %dma_start3A_187] : memref<819200x64xf32, #tpu.memory_space<hbm>> -> memref<128x64xf32, #tpu.memory_space<hbm>>
    %dma_start3A_189 = arith.constant 0 : i32
    %dma_start3A_190 = tpu.memref_slice %arg4[%add3A_181, %dma_start3A_189] : memref<819200x64xf32, #tpu.memory_space<hbm>> -> memref<128x64xf32, #tpu.memory_space<hbm>>
    %dma_start3A_191 = arith.constant 0 : i32
    %dma_start3A_192 = arith.constant 0 : i32
    %dma_start3A_193 = tpu.memref_slice %arg6[%dma_start3A_182, %dma_start3A_191, %dma_start3A_192] : memref<4x128x64xf32, #tpu.memory_space<vmem>> -> memref<1x128x64xf32, #tpu.memory_space<vmem>>
    %dma_start3A_194 = tpu.memref_squeeze %dma_start3A_193 : memref<1x128x64xf32, #tpu.memory_space<vmem>> -> memref<128x64xf32, #tpu.memory_space<vmem>>
    tpu.enqueue_dma source(%dma_start3A_194 : memref<128x64xf32, #tpu.memory_space<vmem>>) target(%dma_start3A_190 : memref<128x64xf32, #tpu.memory_space<hbm>>) target_semaphore(%arg10 : memref<!tpu.dma_semaphore, #tpu.memory_space<semaphore_mem>>)
    %add3A_195 = arith.constant 24960 : i32
    %add3A_196 = arith.addi %mul3A_2, %add3A_195 : i32
    %dma_start3A_197 = arith.constant 3 : i32
    %dma_start3A_198 = arith.constant 0 : i32
    %dma_start3A_199 = arith.constant 0 : i32
    %dma_start3A_200 = tpu.memref_slice %arg6[%dma_start3A_197, %dma_start3A_198, %dma_start3A_199] : memref<4x128x64xf32, #tpu.memory_space<vmem>> -> memref<1x128x64xf32, #tpu.memory_space<vmem>>
    %dma_start3A_201 = tpu.memref_squeeze %dma_start3A_200 : memref<1x128x64xf32, #tpu.memory_space<vmem>> -> memref<128x64xf32, #tpu.memory_space<vmem>>
    %dma_start3A_202 = arith.constant 0 : i32
    %dma_start3A_203 = tpu.memref_slice %arg4[%add3A_196, %dma_start3A_202] : memref<819200x64xf32, #tpu.memory_space<hbm>> -> memref<128x64xf32, #tpu.memory_space<hbm>>
    %dma_start3A_204 = arith.constant 0 : i32
    %dma_start3A_205 = tpu.memref_slice %arg4[%add3A_196, %dma_start3A_204] : memref<819200x64xf32, #tpu.memory_space<hbm>> -> memref<128x64xf32, #tpu.memory_space<hbm>>
    %dma_start3A_206 = arith.constant 0 : i32
    %dma_start3A_207 = arith.constant 0 : i32
    %dma_start3A_208 = tpu.memref_slice %arg6[%dma_start3A_197, %dma_start3A_206, %dma_start3A_207] : memref<4x128x64xf32, #tpu.memory_space<vmem>> -> memref<1x128x64xf32, #tpu.memory_space<vmem>>
    %dma_start3A_209 = tpu.memref_squeeze %dma_start3A_208 : memref<1x128x64xf32, #tpu.memory_space<vmem>> -> memref<128x64xf32, #tpu.memory_space<vmem>>
    tpu.enqueue_dma source(%dma_start3A_209 : memref<128x64xf32, #tpu.memory_space<vmem>>) target(%dma_start3A_205 : memref<128x64xf32, #tpu.memory_space<hbm>>) target_semaphore(%arg10 : memref<!tpu.dma_semaphore, #tpu.memory_space<semaphore_mem>>)
    %dma_wait3A_210 = arith.constant 196 : i32
    %dma_wait3A_211 = arith.constant 0 : i32
    %dma_wait3A_212 = arith.constant 0 : i32
    %dma_wait3A_213 = arith.constant 0 : i32
    %dma_wait3A_214 = tpu.memref_slice %arg7[%dma_wait3A_211, %dma_wait3A_212, %dma_wait3A_213] : memref<4x128x64xf32, #tpu.memory_space<vmem>> -> memref<1x128x64xf32, #tpu.memory_space<vmem>>
    %dma_wait3A_215 = tpu.memref_squeeze %dma_wait3A_214 : memref<1x128x64xf32, #tpu.memory_space<vmem>> -> memref<128x64xf32, #tpu.memory_space<vmem>>
    %dma_wait3A_216 = arith.constant 0 : i32
    %dma_wait3A_217 = tpu.memref_slice %arg5[%dma_wait3A_210, %dma_wait3A_216] : memref<200x128xi32, #tpu.memory_space<vmem>> -> memref<1x128xi32, #tpu.memory_space<vmem>>
    %dma_wait3A_218 = tpu.memref_squeeze %dma_wait3A_217 : memref<1x128xi32, #tpu.memory_space<vmem>> -> memref<128xi32, #tpu.memory_space<vmem>>
    %dma_wait3A_219 = arith.constant 0 : i32
    %dma_wait3A_220 = arith.constant 0 : i32
    %dma_wait3A_221 = tpu.memref_slice %arg3[%dma_wait3A_219, %dma_wait3A_220] : memref<1000000x64xf32, #tpu.memory_space<hbm>> -> memref<1000000x64xf32, #tpu.memory_space<hbm>>
    tpu.wait_indirect_dma semaphore(%arg9 : memref<!tpu.dma_semaphore, #tpu.memory_space<semaphore_mem>>) src(%dma_wait3A_221 : memref<1000000x64xf32, #tpu.memory_space<hbm>>) dst(%dma_wait3A_215 : memref<128x64xf32, #tpu.memory_space<vmem>>)
    %dma_wait3A_222 = arith.constant 197 : i32
    %dma_wait3A_223 = arith.constant 1 : i32
    %dma_wait3A_224 = arith.constant 0 : i32
    %dma_wait3A_225 = arith.constant 0 : i32
    %dma_wait3A_226 = tpu.memref_slice %arg7[%dma_wait3A_223, %dma_wait3A_224, %dma_wait3A_225] : memref<4x128x64xf32, #tpu.memory_space<vmem>> -> memref<1x128x64xf32, #tpu.memory_space<vmem>>
    %dma_wait3A_227 = tpu.memref_squeeze %dma_wait3A_226 : memref<1x128x64xf32, #tpu.memory_space<vmem>> -> memref<128x64xf32, #tpu.memory_space<vmem>>
    %dma_wait3A_228 = arith.constant 0 : i32
    %dma_wait3A_229 = tpu.memref_slice %arg5[%dma_wait3A_222, %dma_wait3A_228] : memref<200x128xi32, #tpu.memory_space<vmem>> -> memref<1x128xi32, #tpu.memory_space<vmem>>
    %dma_wait3A_230 = tpu.memref_squeeze %dma_wait3A_229 : memref<1x128xi32, #tpu.memory_space<vmem>> -> memref<128xi32, #tpu.memory_space<vmem>>
    %dma_wait3A_231 = arith.constant 0 : i32
    %dma_wait3A_232 = arith.constant 0 : i32
    %dma_wait3A_233 = tpu.memref_slice %arg3[%dma_wait3A_231, %dma_wait3A_232] : memref<1000000x64xf32, #tpu.memory_space<hbm>> -> memref<1000000x64xf32, #tpu.memory_space<hbm>>
    tpu.wait_indirect_dma semaphore(%arg9 : memref<!tpu.dma_semaphore, #tpu.memory_space<semaphore_mem>>) src(%dma_wait3A_233 : memref<1000000x64xf32, #tpu.memory_space<hbm>>) dst(%dma_wait3A_227 : memref<128x64xf32, #tpu.memory_space<vmem>>)
    %dma_wait3A_234 = arith.constant 198 : i32
    %dma_wait3A_235 = arith.constant 2 : i32
    %dma_wait3A_236 = arith.constant 0 : i32
    %dma_wait3A_237 = arith.constant 0 : i32
    %dma_wait3A_238 = tpu.memref_slice %arg7[%dma_wait3A_235, %dma_wait3A_236, %dma_wait3A_237] : memref<4x128x64xf32, #tpu.memory_space<vmem>> -> memref<1x128x64xf32, #tpu.memory_space<vmem>>
    %dma_wait3A_239 = tpu.memref_squeeze %dma_wait3A_238 : memref<1x128x64xf32, #tpu.memory_space<vmem>> -> memref<128x64xf32, #tpu.memory_space<vmem>>
    %dma_wait3A_240 = arith.constant 0 : i32
    %dma_wait3A_241 = tpu.memref_slice %arg5[%dma_wait3A_234, %dma_wait3A_240] : memref<200x128xi32, #tpu.memory_space<vmem>> -> memref<1x128xi32, #tpu.memory_space<vmem>>
    %dma_wait3A_242 = tpu.memref_squeeze %dma_wait3A_241 : memref<1x128xi32, #tpu.memory_space<vmem>> -> memref<128xi32, #tpu.memory_space<vmem>>
    %dma_wait3A_243 = arith.constant 0 : i32
    %dma_wait3A_244 = arith.constant 0 : i32
    %dma_wait3A_245 = tpu.memref_slice %arg3[%dma_wait3A_243, %dma_wait3A_244] : memref<1000000x64xf32, #tpu.memory_space<hbm>> -> memref<1000000x64xf32, #tpu.memory_space<hbm>>
    tpu.wait_indirect_dma semaphore(%arg9 : memref<!tpu.dma_semaphore, #tpu.memory_space<semaphore_mem>>) src(%dma_wait3A_245 : memref<1000000x64xf32, #tpu.memory_space<hbm>>) dst(%dma_wait3A_239 : memref<128x64xf32, #tpu.memory_space<vmem>>)
    %dma_wait3A_246 = arith.constant 199 : i32
    %dma_wait3A_247 = arith.constant 3 : i32
    %dma_wait3A_248 = arith.constant 0 : i32
    %dma_wait3A_249 = arith.constant 0 : i32
    %dma_wait3A_250 = tpu.memref_slice %arg7[%dma_wait3A_247, %dma_wait3A_248, %dma_wait3A_249] : memref<4x128x64xf32, #tpu.memory_space<vmem>> -> memref<1x128x64xf32, #tpu.memory_space<vmem>>
    %dma_wait3A_251 = tpu.memref_squeeze %dma_wait3A_250 : memref<1x128x64xf32, #tpu.memory_space<vmem>> -> memref<128x64xf32, #tpu.memory_space<vmem>>
    %dma_wait3A_252 = arith.constant 0 : i32
    %dma_wait3A_253 = tpu.memref_slice %arg5[%dma_wait3A_246, %dma_wait3A_252] : memref<200x128xi32, #tpu.memory_space<vmem>> -> memref<1x128xi32, #tpu.memory_space<vmem>>
    %dma_wait3A_254 = tpu.memref_squeeze %dma_wait3A_253 : memref<1x128xi32, #tpu.memory_space<vmem>> -> memref<128xi32, #tpu.memory_space<vmem>>
    %dma_wait3A_255 = arith.constant 0 : i32
    %dma_wait3A_256 = arith.constant 0 : i32
    %dma_wait3A_257 = tpu.memref_slice %arg3[%dma_wait3A_255, %dma_wait3A_256] : memref<1000000x64xf32, #tpu.memory_space<hbm>> -> memref<1000000x64xf32, #tpu.memory_space<hbm>>
    tpu.wait_indirect_dma semaphore(%arg9 : memref<!tpu.dma_semaphore, #tpu.memory_space<semaphore_mem>>) src(%dma_wait3A_257 : memref<1000000x64xf32, #tpu.memory_space<hbm>>) dst(%dma_wait3A_251 : memref<128x64xf32, #tpu.memory_space<vmem>>)
    %add3A_258 = arith.constant 25088 : i32
    %add3A_259 = arith.addi %mul3A_2, %add3A_258 : i32
    %dma_start3A_260 = arith.constant 0 : i32
    %dma_start3A_261 = arith.constant 0 : i32
    %dma_start3A_262 = arith.constant 0 : i32
    %dma_start3A_263 = tpu.memref_slice %arg7[%dma_start3A_260, %dma_start3A_261, %dma_start3A_262] : memref<4x128x64xf32, #tpu.memory_space<vmem>> -> memref<1x128x64xf32, #tpu.memory_space<vmem>>
    %dma_start3A_264 = tpu.memref_squeeze %dma_start3A_263 : memref<1x128x64xf32, #tpu.memory_space<vmem>> -> memref<128x64xf32, #tpu.memory_space<vmem>>
    %dma_start3A_265 = arith.constant 0 : i32
    %dma_start3A_266 = tpu.memref_slice %arg4[%add3A_259, %dma_start3A_265] : memref<819200x64xf32, #tpu.memory_space<hbm>> -> memref<128x64xf32, #tpu.memory_space<hbm>>
    %dma_start3A_267 = arith.constant 0 : i32
    %dma_start3A_268 = tpu.memref_slice %arg4[%add3A_259, %dma_start3A_267] : memref<819200x64xf32, #tpu.memory_space<hbm>> -> memref<128x64xf32, #tpu.memory_space<hbm>>
    %dma_start3A_269 = arith.constant 0 : i32
    %dma_start3A_270 = arith.constant 0 : i32
    %dma_start3A_271 = tpu.memref_slice %arg7[%dma_start3A_260, %dma_start3A_269, %dma_start3A_270] : memref<4x128x64xf32, #tpu.memory_space<vmem>> -> memref<1x128x64xf32, #tpu.memory_space<vmem>>
    %dma_start3A_272 = tpu.memref_squeeze %dma_start3A_271 : memref<1x128x64xf32, #tpu.memory_space<vmem>> -> memref<128x64xf32, #tpu.memory_space<vmem>>
    tpu.enqueue_dma source(%dma_start3A_272 : memref<128x64xf32, #tpu.memory_space<vmem>>) target(%dma_start3A_268 : memref<128x64xf32, #tpu.memory_space<hbm>>) target_semaphore(%arg11 : memref<!tpu.dma_semaphore, #tpu.memory_space<semaphore_mem>>)
    %add3A_273 = arith.constant 25216 : i32
    %add3A_274 = arith.addi %mul3A_2, %add3A_273 : i32
    %dma_start3A_275 = arith.constant 1 : i32
    %dma_start3A_276 = arith.constant 0 : i32
    %dma_start3A_277 = arith.constant 0 : i32
    %dma_start3A_278 = tpu.memref_slice %arg7[%dma_start3A_275, %dma_start3A_276, %dma_start3A_277] : memref<4x128x64xf32, #tpu.memory_space<vmem>> -> memref<1x128x64xf32, #tpu.memory_space<vmem>>
    %dma_start3A_279 = tpu.memref_squeeze %dma_start3A_278 : memref<1x128x64xf32, #tpu.memory_space<vmem>> -> memref<128x64xf32, #tpu.memory_space<vmem>>
    %dma_start3A_280 = arith.constant 0 : i32
    %dma_start3A_281 = tpu.memref_slice %arg4[%add3A_274, %dma_start3A_280] : memref<819200x64xf32, #tpu.memory_space<hbm>> -> memref<128x64xf32, #tpu.memory_space<hbm>>
    %dma_start3A_282 = arith.constant 0 : i32
    %dma_start3A_283 = tpu.memref_slice %arg4[%add3A_274, %dma_start3A_282] : memref<819200x64xf32, #tpu.memory_space<hbm>> -> memref<128x64xf32, #tpu.memory_space<hbm>>
    %dma_start3A_284 = arith.constant 0 : i32
    %dma_start3A_285 = arith.constant 0 : i32
    %dma_start3A_286 = tpu.memref_slice %arg7[%dma_start3A_275, %dma_start3A_284, %dma_start3A_285] : memref<4x128x64xf32, #tpu.memory_space<vmem>> -> memref<1x128x64xf32, #tpu.memory_space<vmem>>
    %dma_start3A_287 = tpu.memref_squeeze %dma_start3A_286 : memref<1x128x64xf32, #tpu.memory_space<vmem>> -> memref<128x64xf32, #tpu.memory_space<vmem>>
    tpu.enqueue_dma source(%dma_start3A_287 : memref<128x64xf32, #tpu.memory_space<vmem>>) target(%dma_start3A_283 : memref<128x64xf32, #tpu.memory_space<hbm>>) target_semaphore(%arg11 : memref<!tpu.dma_semaphore, #tpu.memory_space<semaphore_mem>>)
    %add3A_288 = arith.constant 25344 : i32
    %add3A_289 = arith.addi %mul3A_2, %add3A_288 : i32
    %dma_start3A_290 = arith.constant 2 : i32
    %dma_start3A_291 = arith.constant 0 : i32
    %dma_start3A_292 = arith.constant 0 : i32
    %dma_start3A_293 = tpu.memref_slice %arg7[%dma_start3A_290, %dma_start3A_291, %dma_start3A_292] : memref<4x128x64xf32, #tpu.memory_space<vmem>> -> memref<1x128x64xf32, #tpu.memory_space<vmem>>
    %dma_start3A_294 = tpu.memref_squeeze %dma_start3A_293 : memref<1x128x64xf32, #tpu.memory_space<vmem>> -> memref<128x64xf32, #tpu.memory_space<vmem>>
    %dma_start3A_295 = arith.constant 0 : i32
    %dma_start3A_296 = tpu.memref_slice %arg4[%add3A_289, %dma_start3A_295] : memref<819200x64xf32, #tpu.memory_space<hbm>> -> memref<128x64xf32, #tpu.memory_space<hbm>>
    %dma_start3A_297 = arith.constant 0 : i32
    %dma_start3A_298 = tpu.memref_slice %arg4[%add3A_289, %dma_start3A_297] : memref<819200x64xf32, #tpu.memory_space<hbm>> -> memref<128x64xf32, #tpu.memory_space<hbm>>
    %dma_start3A_299 = arith.constant 0 : i32
    %dma_start3A_300 = arith.constant 0 : i32
    %dma_start3A_301 = tpu.memref_slice %arg7[%dma_start3A_290, %dma_start3A_299, %dma_start3A_300] : memref<4x128x64xf32, #tpu.memory_space<vmem>> -> memref<1x128x64xf32, #tpu.memory_space<vmem>>
    %dma_start3A_302 = tpu.memref_squeeze %dma_start3A_301 : memref<1x128x64xf32, #tpu.memory_space<vmem>> -> memref<128x64xf32, #tpu.memory_space<vmem>>
    tpu.enqueue_dma source(%dma_start3A_302 : memref<128x64xf32, #tpu.memory_space<vmem>>) target(%dma_start3A_298 : memref<128x64xf32, #tpu.memory_space<hbm>>) target_semaphore(%arg11 : memref<!tpu.dma_semaphore, #tpu.memory_space<semaphore_mem>>)
    %add3A_303 = arith.constant 25472 : i32
    %add3A_304 = arith.addi %mul3A_2, %add3A_303 : i32
    %dma_start3A_305 = arith.constant 3 : i32
    %dma_start3A_306 = arith.constant 0 : i32
    %dma_start3A_307 = arith.constant 0 : i32
    %dma_start3A_308 = tpu.memref_slice %arg7[%dma_start3A_305, %dma_start3A_306, %dma_start3A_307] : memref<4x128x64xf32, #tpu.memory_space<vmem>> -> memref<1x128x64xf32, #tpu.memory_space<vmem>>
    %dma_start3A_309 = tpu.memref_squeeze %dma_start3A_308 : memref<1x128x64xf32, #tpu.memory_space<vmem>> -> memref<128x64xf32, #tpu.memory_space<vmem>>
    %dma_start3A_310 = arith.constant 0 : i32
    %dma_start3A_311 = tpu.memref_slice %arg4[%add3A_304, %dma_start3A_310] : memref<819200x64xf32, #tpu.memory_space<hbm>> -> memref<128x64xf32, #tpu.memory_space<hbm>>
    %dma_start3A_312 = arith.constant 0 : i32
    %dma_start3A_313 = tpu.memref_slice %arg4[%add3A_304, %dma_start3A_312] : memref<819200x64xf32, #tpu.memory_space<hbm>> -> memref<128x64xf32, #tpu.memory_space<hbm>>
    %dma_start3A_314 = arith.constant 0 : i32
    %dma_start3A_315 = arith.constant 0 : i32
    %dma_start3A_316 = tpu.memref_slice %arg7[%dma_start3A_305, %dma_start3A_314, %dma_start3A_315] : memref<4x128x64xf32, #tpu.memory_space<vmem>> -> memref<1x128x64xf32, #tpu.memory_space<vmem>>
    %dma_start3A_317 = tpu.memref_squeeze %dma_start3A_316 : memref<1x128x64xf32, #tpu.memory_space<vmem>> -> memref<128x64xf32, #tpu.memory_space<vmem>>
    tpu.enqueue_dma source(%dma_start3A_317 : memref<128x64xf32, #tpu.memory_space<vmem>>) target(%dma_start3A_313 : memref<128x64xf32, #tpu.memory_space<hbm>>) target_semaphore(%arg11 : memref<!tpu.dma_semaphore, #tpu.memory_space<semaphore_mem>>)
    %add3A_318 = arith.constant 24576 : i32
    %add3A_319 = arith.addi %mul3A_2, %add3A_318 : i32
    %dma_wait3A_320 = arith.constant 0 : i32
    %dma_wait3A_321 = arith.constant 0 : i32
    %dma_wait3A_322 = arith.constant 0 : i32
    %dma_wait3A_323 = tpu.memref_slice %arg6[%dma_wait3A_320, %dma_wait3A_321, %dma_wait3A_322] : memref<4x128x64xf32, #tpu.memory_space<vmem>> -> memref<1x128x64xf32, #tpu.memory_space<vmem>>
    %dma_wait3A_324 = tpu.memref_squeeze %dma_wait3A_323 : memref<1x128x64xf32, #tpu.memory_space<vmem>> -> memref<128x64xf32, #tpu.memory_space<vmem>>
    %dma_wait3A_325 = arith.constant 0 : i32
    %dma_wait3A_326 = tpu.memref_slice %arg4[%add3A_319, %dma_wait3A_325] : memref<819200x64xf32, #tpu.memory_space<hbm>> -> memref<128x64xf32, #tpu.memory_space<hbm>>
    %dma_wait3A_327 = arith.constant 0 : i32
    %dma_wait3A_328 = tpu.memref_slice %arg4[%add3A_319, %dma_wait3A_327] : memref<819200x64xf32, #tpu.memory_space<hbm>> -> memref<128x64xf32, #tpu.memory_space<hbm>>
    %dma_wait3A_329 = arith.constant 0 : i32
    %dma_wait3A_330 = arith.constant 0 : i32
    %dma_wait3A_331 = tpu.memref_slice %arg6[%dma_wait3A_320, %dma_wait3A_329, %dma_wait3A_330] : memref<4x128x64xf32, #tpu.memory_space<vmem>> -> memref<1x128x64xf32, #tpu.memory_space<vmem>>
    %dma_wait3A_332 = tpu.memref_squeeze %dma_wait3A_331 : memref<1x128x64xf32, #tpu.memory_space<vmem>> -> memref<128x64xf32, #tpu.memory_space<vmem>>
    tpu.wait_dma2 semaphore(%arg10 : memref<!tpu.dma_semaphore, #tpu.memory_space<semaphore_mem>>) src(%dma_wait3A_332 : memref<128x64xf32, #tpu.memory_space<vmem>>) dst(%dma_wait3A_328 : memref<128x64xf32, #tpu.memory_space<hbm>>)
    %add3A_333 = arith.constant 24704 : i32
    %add3A_334 = arith.addi %mul3A_2, %add3A_333 : i32
    %dma_wait3A_335 = arith.constant 1 : i32
    %dma_wait3A_336 = arith.constant 0 : i32
    %dma_wait3A_337 = arith.constant 0 : i32
    %dma_wait3A_338 = tpu.memref_slice %arg6[%dma_wait3A_335, %dma_wait3A_336, %dma_wait3A_337] : memref<4x128x64xf32, #tpu.memory_space<vmem>> -> memref<1x128x64xf32, #tpu.memory_space<vmem>>
    %dma_wait3A_339 = tpu.memref_squeeze %dma_wait3A_338 : memref<1x128x64xf32, #tpu.memory_space<vmem>> -> memref<128x64xf32, #tpu.memory_space<vmem>>
    %dma_wait3A_340 = arith.constant 0 : i32
    %dma_wait3A_341 = tpu.memref_slice %arg4[%add3A_334, %dma_wait3A_340] : memref<819200x64xf32, #tpu.memory_space<hbm>> -> memref<128x64xf32, #tpu.memory_space<hbm>>
    %dma_wait3A_342 = arith.constant 0 : i32
    %dma_wait3A_343 = tpu.memref_slice %arg4[%add3A_334, %dma_wait3A_342] : memref<819200x64xf32, #tpu.memory_space<hbm>> -> memref<128x64xf32, #tpu.memory_space<hbm>>
    %dma_wait3A_344 = arith.constant 0 : i32
    %dma_wait3A_345 = arith.constant 0 : i32
    %dma_wait3A_346 = tpu.memref_slice %arg6[%dma_wait3A_335, %dma_wait3A_344, %dma_wait3A_345] : memref<4x128x64xf32, #tpu.memory_space<vmem>> -> memref<1x128x64xf32, #tpu.memory_space<vmem>>
    %dma_wait3A_347 = tpu.memref_squeeze %dma_wait3A_346 : memref<1x128x64xf32, #tpu.memory_space<vmem>> -> memref<128x64xf32, #tpu.memory_space<vmem>>
    tpu.wait_dma2 semaphore(%arg10 : memref<!tpu.dma_semaphore, #tpu.memory_space<semaphore_mem>>) src(%dma_wait3A_347 : memref<128x64xf32, #tpu.memory_space<vmem>>) dst(%dma_wait3A_343 : memref<128x64xf32, #tpu.memory_space<hbm>>)
    %add3A_348 = arith.constant 24832 : i32
    %add3A_349 = arith.addi %mul3A_2, %add3A_348 : i32
    %dma_wait3A_350 = arith.constant 2 : i32
    %dma_wait3A_351 = arith.constant 0 : i32
    %dma_wait3A_352 = arith.constant 0 : i32
    %dma_wait3A_353 = tpu.memref_slice %arg6[%dma_wait3A_350, %dma_wait3A_351, %dma_wait3A_352] : memref<4x128x64xf32, #tpu.memory_space<vmem>> -> memref<1x128x64xf32, #tpu.memory_space<vmem>>
    %dma_wait3A_354 = tpu.memref_squeeze %dma_wait3A_353 : memref<1x128x64xf32, #tpu.memory_space<vmem>> -> memref<128x64xf32, #tpu.memory_space<vmem>>
    %dma_wait3A_355 = arith.constant 0 : i32
    %dma_wait3A_356 = tpu.memref_slice %arg4[%add3A_349, %dma_wait3A_355] : memref<819200x64xf32, #tpu.memory_space<hbm>> -> memref<128x64xf32, #tpu.memory_space<hbm>>
    %dma_wait3A_357 = arith.constant 0 : i32
    %dma_wait3A_358 = tpu.memref_slice %arg4[%add3A_349, %dma_wait3A_357] : memref<819200x64xf32, #tpu.memory_space<hbm>> -> memref<128x64xf32, #tpu.memory_space<hbm>>
    %dma_wait3A_359 = arith.constant 0 : i32
    %dma_wait3A_360 = arith.constant 0 : i32
    %dma_wait3A_361 = tpu.memref_slice %arg6[%dma_wait3A_350, %dma_wait3A_359, %dma_wait3A_360] : memref<4x128x64xf32, #tpu.memory_space<vmem>> -> memref<1x128x64xf32, #tpu.memory_space<vmem>>
    %dma_wait3A_362 = tpu.memref_squeeze %dma_wait3A_361 : memref<1x128x64xf32, #tpu.memory_space<vmem>> -> memref<128x64xf32, #tpu.memory_space<vmem>>
    tpu.wait_dma2 semaphore(%arg10 : memref<!tpu.dma_semaphore, #tpu.memory_space<semaphore_mem>>) src(%dma_wait3A_362 : memref<128x64xf32, #tpu.memory_space<vmem>>) dst(%dma_wait3A_358 : memref<128x64xf32, #tpu.memory_space<hbm>>)
    %add3A_363 = arith.constant 24960 : i32
    %add3A_364 = arith.addi %mul3A_2, %add3A_363 : i32
    %dma_wait3A_365 = arith.constant 3 : i32
    %dma_wait3A_366 = arith.constant 0 : i32
    %dma_wait3A_367 = arith.constant 0 : i32
    %dma_wait3A_368 = tpu.memref_slice %arg6[%dma_wait3A_365, %dma_wait3A_366, %dma_wait3A_367] : memref<4x128x64xf32, #tpu.memory_space<vmem>> -> memref<1x128x64xf32, #tpu.memory_space<vmem>>
    %dma_wait3A_369 = tpu.memref_squeeze %dma_wait3A_368 : memref<1x128x64xf32, #tpu.memory_space<vmem>> -> memref<128x64xf32, #tpu.memory_space<vmem>>
    %dma_wait3A_370 = arith.constant 0 : i32
    %dma_wait3A_371 = tpu.memref_slice %arg4[%add3A_364, %dma_wait3A_370] : memref<819200x64xf32, #tpu.memory_space<hbm>> -> memref<128x64xf32, #tpu.memory_space<hbm>>
    %dma_wait3A_372 = arith.constant 0 : i32
    %dma_wait3A_373 = tpu.memref_slice %arg4[%add3A_364, %dma_wait3A_372] : memref<819200x64xf32, #tpu.memory_space<hbm>> -> memref<128x64xf32, #tpu.memory_space<hbm>>
    %dma_wait3A_374 = arith.constant 0 : i32
    %dma_wait3A_375 = arith.constant 0 : i32
    %dma_wait3A_376 = tpu.memref_slice %arg6[%dma_wait3A_365, %dma_wait3A_374, %dma_wait3A_375] : memref<4x128x64xf32, #tpu.memory_space<vmem>> -> memref<1x128x64xf32, #tpu.memory_space<vmem>>
    %dma_wait3A_377 = tpu.memref_squeeze %dma_wait3A_376 : memref<1x128x64xf32, #tpu.memory_space<vmem>> -> memref<128x64xf32, #tpu.memory_space<vmem>>
    tpu.wait_dma2 semaphore(%arg10 : memref<!tpu.dma_semaphore, #tpu.memory_space<semaphore_mem>>) src(%dma_wait3A_377 : memref<128x64xf32, #tpu.memory_space<vmem>>) dst(%dma_wait3A_373 : memref<128x64xf32, #tpu.memory_space<hbm>>)
    %add3A_378 = arith.constant 25088 : i32
    %add3A_379 = arith.addi %mul3A_2, %add3A_378 : i32
    %dma_wait3A_380 = arith.constant 0 : i32
    %dma_wait3A_381 = arith.constant 0 : i32
    %dma_wait3A_382 = arith.constant 0 : i32
    %dma_wait3A_383 = tpu.memref_slice %arg7[%dma_wait3A_380, %dma_wait3A_381, %dma_wait3A_382] : memref<4x128x64xf32, #tpu.memory_space<vmem>> -> memref<1x128x64xf32, #tpu.memory_space<vmem>>
    %dma_wait3A_384 = tpu.memref_squeeze %dma_wait3A_383 : memref<1x128x64xf32, #tpu.memory_space<vmem>> -> memref<128x64xf32, #tpu.memory_space<vmem>>
    %dma_wait3A_385 = arith.constant 0 : i32
    %dma_wait3A_386 = tpu.memref_slice %arg4[%add3A_379, %dma_wait3A_385] : memref<819200x64xf32, #tpu.memory_space<hbm>> -> memref<128x64xf32, #tpu.memory_space<hbm>>
    %dma_wait3A_387 = arith.constant 0 : i32
    %dma_wait3A_388 = tpu.memref_slice %arg4[%add3A_379, %dma_wait3A_387] : memref<819200x64xf32, #tpu.memory_space<hbm>> -> memref<128x64xf32, #tpu.memory_space<hbm>>
    %dma_wait3A_389 = arith.constant 0 : i32
    %dma_wait3A_390 = arith.constant 0 : i32
    %dma_wait3A_391 = tpu.memref_slice %arg7[%dma_wait3A_380, %dma_wait3A_389, %dma_wait3A_390] : memref<4x128x64xf32, #tpu.memory_space<vmem>> -> memref<1x128x64xf32, #tpu.memory_space<vmem>>
    %dma_wait3A_392 = tpu.memref_squeeze %dma_wait3A_391 : memref<1x128x64xf32, #tpu.memory_space<vmem>> -> memref<128x64xf32, #tpu.memory_space<vmem>>
    tpu.wait_dma2 semaphore(%arg11 : memref<!tpu.dma_semaphore, #tpu.memory_space<semaphore_mem>>) src(%dma_wait3A_392 : memref<128x64xf32, #tpu.memory_space<vmem>>) dst(%dma_wait3A_388 : memref<128x64xf32, #tpu.memory_space<hbm>>)
    %add3A_393 = arith.constant 25216 : i32
    %add3A_394 = arith.addi %mul3A_2, %add3A_393 : i32
    %dma_wait3A_395 = arith.constant 1 : i32
    %dma_wait3A_396 = arith.constant 0 : i32
    %dma_wait3A_397 = arith.constant 0 : i32
    %dma_wait3A_398 = tpu.memref_slice %arg7[%dma_wait3A_395, %dma_wait3A_396, %dma_wait3A_397] : memref<4x128x64xf32, #tpu.memory_space<vmem>> -> memref<1x128x64xf32, #tpu.memory_space<vmem>>
    %dma_wait3A_399 = tpu.memref_squeeze %dma_wait3A_398 : memref<1x128x64xf32, #tpu.memory_space<vmem>> -> memref<128x64xf32, #tpu.memory_space<vmem>>
    %dma_wait3A_400 = arith.constant 0 : i32
    %dma_wait3A_401 = tpu.memref_slice %arg4[%add3A_394, %dma_wait3A_400] : memref<819200x64xf32, #tpu.memory_space<hbm>> -> memref<128x64xf32, #tpu.memory_space<hbm>>
    %dma_wait3A_402 = arith.constant 0 : i32
    %dma_wait3A_403 = tpu.memref_slice %arg4[%add3A_394, %dma_wait3A_402] : memref<819200x64xf32, #tpu.memory_space<hbm>> -> memref<128x64xf32, #tpu.memory_space<hbm>>
    %dma_wait3A_404 = arith.constant 0 : i32
    %dma_wait3A_405 = arith.constant 0 : i32
    %dma_wait3A_406 = tpu.memref_slice %arg7[%dma_wait3A_395, %dma_wait3A_404, %dma_wait3A_405] : memref<4x128x64xf32, #tpu.memory_space<vmem>> -> memref<1x128x64xf32, #tpu.memory_space<vmem>>
    %dma_wait3A_407 = tpu.memref_squeeze %dma_wait3A_406 : memref<1x128x64xf32, #tpu.memory_space<vmem>> -> memref<128x64xf32, #tpu.memory_space<vmem>>
    tpu.wait_dma2 semaphore(%arg11 : memref<!tpu.dma_semaphore, #tpu.memory_space<semaphore_mem>>) src(%dma_wait3A_407 : memref<128x64xf32, #tpu.memory_space<vmem>>) dst(%dma_wait3A_403 : memref<128x64xf32, #tpu.memory_space<hbm>>)
    %add3A_408 = arith.constant 25344 : i32
    %add3A_409 = arith.addi %mul3A_2, %add3A_408 : i32
    %dma_wait3A_410 = arith.constant 2 : i32
    %dma_wait3A_411 = arith.constant 0 : i32
    %dma_wait3A_412 = arith.constant 0 : i32
    %dma_wait3A_413 = tpu.memref_slice %arg7[%dma_wait3A_410, %dma_wait3A_411, %dma_wait3A_412] : memref<4x128x64xf32, #tpu.memory_space<vmem>> -> memref<1x128x64xf32, #tpu.memory_space<vmem>>
    %dma_wait3A_414 = tpu.memref_squeeze %dma_wait3A_413 : memref<1x128x64xf32, #tpu.memory_space<vmem>> -> memref<128x64xf32, #tpu.memory_space<vmem>>
    %dma_wait3A_415 = arith.constant 0 : i32
    %dma_wait3A_416 = tpu.memref_slice %arg4[%add3A_409, %dma_wait3A_415] : memref<819200x64xf32, #tpu.memory_space<hbm>> -> memref<128x64xf32, #tpu.memory_space<hbm>>
    %dma_wait3A_417 = arith.constant 0 : i32
    %dma_wait3A_418 = tpu.memref_slice %arg4[%add3A_409, %dma_wait3A_417] : memref<819200x64xf32, #tpu.memory_space<hbm>> -> memref<128x64xf32, #tpu.memory_space<hbm>>
    %dma_wait3A_419 = arith.constant 0 : i32
    %dma_wait3A_420 = arith.constant 0 : i32
    %dma_wait3A_421 = tpu.memref_slice %arg7[%dma_wait3A_410, %dma_wait3A_419, %dma_wait3A_420] : memref<4x128x64xf32, #tpu.memory_space<vmem>> -> memref<1x128x64xf32, #tpu.memory_space<vmem>>
    %dma_wait3A_422 = tpu.memref_squeeze %dma_wait3A_421 : memref<1x128x64xf32, #tpu.memory_space<vmem>> -> memref<128x64xf32, #tpu.memory_space<vmem>>
    tpu.wait_dma2 semaphore(%arg11 : memref<!tpu.dma_semaphore, #tpu.memory_space<semaphore_mem>>) src(%dma_wait3A_422 : memref<128x64xf32, #tpu.memory_space<vmem>>) dst(%dma_wait3A_418 : memref<128x64xf32, #tpu.memory_space<hbm>>)
    %add3A_423 = arith.constant 25472 : i32
    %add3A_424 = arith.addi %mul3A_2, %add3A_423 : i32
    %dma_wait3A_425 = arith.constant 3 : i32
    %dma_wait3A_426 = arith.constant 0 : i32
    %dma_wait3A_427 = arith.constant 0 : i32
    %dma_wait3A_428 = tpu.memref_slice %arg7[%dma_wait3A_425, %dma_wait3A_426, %dma_wait3A_427] : memref<4x128x64xf32, #tpu.memory_space<vmem>> -> memref<1x128x64xf32, #tpu.memory_space<vmem>>
    %dma_wait3A_429 = tpu.memref_squeeze %dma_wait3A_428 : memref<1x128x64xf32, #tpu.memory_space<vmem>> -> memref<128x64xf32, #tpu.memory_space<vmem>>
    %dma_wait3A_430 = arith.constant 0 : i32
    %dma_wait3A_431 = tpu.memref_slice %arg4[%add3A_424, %dma_wait3A_430] : memref<819200x64xf32, #tpu.memory_space<hbm>> -> memref<128x64xf32, #tpu.memory_space<hbm>>
    %dma_wait3A_432 = arith.constant 0 : i32
    %dma_wait3A_433 = tpu.memref_slice %arg4[%add3A_424, %dma_wait3A_432] : memref<819200x64xf32, #tpu.memory_space<hbm>> -> memref<128x64xf32, #tpu.memory_space<hbm>>
    %dma_wait3A_434 = arith.constant 0 : i32
    %dma_wait3A_435 = arith.constant 0 : i32
    %dma_wait3A_436 = tpu.memref_slice %arg7[%dma_wait3A_425, %dma_wait3A_434, %dma_wait3A_435] : memref<4x128x64xf32, #tpu.memory_space<vmem>> -> memref<1x128x64xf32, #tpu.memory_space<vmem>>
    %dma_wait3A_437 = tpu.memref_squeeze %dma_wait3A_436 : memref<1x128x64xf32, #tpu.memory_space<vmem>> -> memref<128x64xf32, #tpu.memory_space<vmem>>
    tpu.wait_dma2 semaphore(%arg11 : memref<!tpu.dma_semaphore, #tpu.memory_space<semaphore_mem>>) src(%dma_wait3A_437 : memref<128x64xf32, #tpu.memory_space<vmem>>) dst(%dma_wait3A_433 : memref<128x64xf32, #tpu.memory_space<hbm>>)
    return
  }
}

</mosaic_0001>

<sc_bundles>
// kernel: kernel.3.cloned.1.call-start
scs
__scs_entry_jumppad:
0x0: {  	(pc) =	sbr.rel $0x88, $3  }
0x1: {  	(tag) =	ssettag $0x0;
	lr =	simm.s32 $0x1  }
0x2: {  	[smem:$0x3F9F] =	sst lr;
	_ =	strace $0xD0000000  }
0x3: {  	_ = 	snop  }
0x4: {  	_ = 	snop  }
0x5: {  	_ = 	snop  }
0x6: {  	_ = 	snop  }
0x7: {  	_ = 	snop  }
__scs_overlays_trampoline_lowered:
0x8: {  	[smem:$0x3FAE] =	sst s0  }
0x9: {  	[smem:$0x3FAF] =	sst s1  }
0xa: {  	[smem:$0x3FB0] =	sst s2  }
0xb: {  	[smem:$0x3FB1] =	sst s3  }
0xc: {  	[smem:$0x3FB2] =	sst s4  }
0xd: {  	[smem:$0x3FB3] =	sst s5  }
0xe: {  	[smem:$0x3FB4] =	sst s6  }
0xf: {  	[smem:$0x3FB5] =	sst s7  }
0x10: {  	[smem:$0x3FB6] =	sst s8  }
0x11: {  	[smem:$0x3FB7] =	sst s9;
	s0 =	simm.s32 @!p0 $0x0  }
0x12: {  	s1 =	sld [smem:$0x3F9D];
	s0 =	simm.s32 @p0 $0x1  }
0x13: {  	[smem:$0x3FB8] =	sst s0;
	s0 =	simm.s32 @!p1 $0x0  }
0x14: {  	s2 =	sld [smem:$0x3F9C];
	s0 =	simm.s32 @p1 $0x1  }
0x15: {  	[smem:$0x3FB9] =	sst s0;
	s0 =	simm.s32 @!p2 $0x0  }
0x16: {  	s3 =	sld [smem:$0x3FDB];
	s0 =	simm.s32 @p2 $0x1  }
0x17: {  	s4 =	simm.s32 $0x1BF5;
	[smem:$0x3FBB] =	sst s0  }
0x18: {  	s0 =	sld [smem:$0x3F9E];
	_ =	swait.ge [sflag:s4], $0x0  }
0x19: {  	s7 =	sld [smem:$0x3F9F]  }
0x1a: {  	s8 =	sadd.s32 $0xFFFFE003, lr  }
0x1b: {  	s9 =	sadd.s32 $0xFFFFFEF7, lr;
	s5 =	simm.s32 $0xFFFFFFFF;
	p2 =	slt.u32 s8, $0xFFFFF086  }
0x1c: {  	p1 =	slt.u32 s9, $0xF7A;
	s5 =	simm.s32 @!p2 $0x0  }
0x1d: {  	s5 =	simm.s32 @p1 $0x1;
	p0 =	seq.s32 s7, s2  }
0x1e: {  	s7 =	smul.u32 @!p0 $0xF7A, s2;
	p2 =	seq.s32 @!p0 s5, $0x0  }
0x1f: {  	s9 =	smul.u32 $0xF7A, s1;
	s8 =	simm.s32 @!p0 $0x1BF5;
	p2 =	por !p2, p0  }
0x20: {  	[sflag:s8] =	ssyncset.s32 @!p0 $0xFFFFF086;
	s6 =	sadd.s32 @!p0 s3, s7;
	s7 =	simm.s32 @!p0 $0x108  }
0x21: {  	s3 =	sadd.s32 s3, s9;
	s6 =	sadd.s32 @!p0 $0x88, s6;
	s7 =	simm.s32 @p2 $0x1082  }
0x22: {  	[simem:s7], [sflag:s8] =	dma.local @!p0 [hbm:s6], $0xF7A  }
0x23: {  	s9 =	sor.u32 $0xD0000000, s2;
	s6 =	simm.s32 $0x108;
	_ =	swait.ge @!p0 [sflag:s8], $0x0  }
0x24: {  	s3 =	sadd.s32 $0x88, s3;
	s6 =	simm.s32 @!p1 $0x1082;
	[sflag:s4] =	ssyncset.s32 $0xFFFFF086  }
0x25: {  	[simem:s6], [sflag:s4] =	dma.local [hbm:s3], $0xF7A  }
0x26: {  	[smem:$0x3F9F] =	sst s1;
	(tag) =	ssettag s2;
	_ =	strace s9  }
0x27: {  	s1 =	sld [smem:$0x3FAF]  }
0x28: {  	s2 =	sld [smem:$0x3FB0]  }
0x29: {  	s4 =	sld [smem:$0x3FB2]  }
0x2a: {  	p0 =	seq.s32 s5, $0x0;
	s5 =	sld [smem:$0x3FB3]  }
0x2b: {  	s6 =	sld [smem:$0x3FB4]  }
0x2c: {  	s7 =	sld [smem:$0x3FB5]  }
0x2d: {  	s3 =	simm.s32 $0x108;
	s8 =	sld [smem:$0x3FB6]  }
0x2e: {  	s3 =	simm.s32 @!p0 $0x1082;
	s9 =	sld [smem:$0x3FB7]  }
0x2f: {  	lr =	sadd.s32 s0, s3;
	s0 =	sld [smem:$0x3FAE]  }
0x30: {  	s3 =	sld [smem:$0x3FB1]  }
0x31: {  	[smem:$0x3FBA] =	sst s10  }
0x32: {  	s10 =	sld [smem:$0x3FB8];
	_ =	sdelay $0x3  }
0x33: {  	p0 =	seq.s32 s10, $0x1;
	s10 =	sld [smem:$0x3FBA];
	_ =	sdelay $0x3  }
0x34: {  	[smem:$0x3FBA] =	sst s10  }
0x35: {  	s10 =	sld [smem:$0x3FB9];
	_ =	sdelay $0x3  }
0x36: {  	p1 =	seq.s32 s10, $0x1;
	s10 =	sld [smem:$0x3FBA];
	_ =	sdelay $0x3  }
0x37: {  	[smem:$0x3FBA] =	sst s10  }
0x38: {  	s10 =	sld [smem:$0x3FBB]  }
0x39: {  	_ = 	snop;
	(pc) =	sbr.ind lr, $3  }
0x3a: {  	_ = 	snop  }
0x3b: {  	_ = 	snop  }
0x3c: {  	p2 =	seq.s32 s10, $0x1;
	s10 =	sld [smem:$0x3FBA]  }
0x3d: {  	_ =	shalt  }
0x3e: {  	_ =	shalt  }
0x3f: {  	_ =	shalt  }
0x40: {  	_ =	shalt  }
0x41: {  	_ =	shalt  }
0x42: {  	_ =	shalt  }
0x43: {  	_ =	shalt  }
0x44: {  	_ =	shalt  }
0x45: {  	_ =	shalt  }
0x46: {  	_ =	shalt  }
0x47: {  	_ =	shalt  }
0x48: {  	_ =	shalt  }
0x49: {  	_ =	shalt  }
0x4a: {  	_ =	shalt  }
0x4b: {  	_ =	shalt  }
0x4c: {  	_ =	shalt  }
0x4d: {  	_ =	shalt  }
0x4e: {  	_ =	shalt  }
0x4f: {  	_ =	shalt  }
0x50: {  	_ =	shalt  }
0x51: {  	_ =	shalt  }
0x52: {  	_ =	shalt  }
0x53: {  	_ =	shalt  }
0x54: {  	_ =	shalt  }
0x55: {  	_ =	shalt  }
0x56: {  	_ =	shalt  }
0x57: {  	_ =	shalt  }
0x58: {  	_ =	shalt  }
0x59: {  	_ =	shalt  }
0x5a: {  	_ =	shalt  }
0x5b: {  	_ =	shalt  }
0x5c: {  	_ =	shalt  }
0x5d: {  	_ =	shalt  }
0x5e: {  	_ =	shalt  }
0x5f: {  	_ =	shalt  }
0x60: {  	_ =	shalt  }
0x61: {  	_ =	shalt  }
0x62: {  	_ =	shalt  }
0x63: {  	_ =	shalt  }
0x64: {  	_ =	shalt  }
0x65: {  	_ =	shalt  }
0x66: {  	_ =	shalt  }
0x67: {  	_ =	shalt  }
0x68: {  	_ =	shalt  }
0x69: {  	_ =	shalt  }
0x6a: {  	_ =	shalt  }
0x6b: {  	_ =	shalt  }
0x6c: {  	_ =	shalt  }
0x6d: {  	_ =	shalt  }
0x6e: {  	_ =	shalt  }
0x6f: {  	_ =	shalt  }
0x70: {  	_ =	shalt  }
0x71: {  	_ =	shalt  }
0x72: {  	_ =	shalt  }
0x73: {  	_ =	shalt  }
0x74: {  	_ =	shalt  }
0x75: {  	_ =	shalt  }
0x76: {  	_ =	shalt  }
0x77: {  	_ =	shalt  }
0x78: {  	_ =	shalt  }
0x79: {  	_ =	shalt  }
0x7a: {  	_ =	shalt  }
0x7b: {  	_ =	shalt  }
0x7c: {  	_ =	shalt  }
0x7d: {  	_ =	shalt  }
0x7e: {  	_ =	shalt  }
0x7f: {  	_ =	shalt  }
0x80: {  	_ =	shalt  }
0x81: {  	_ =	shalt  }
0x82: {  	_ =	shalt  }
0x83: {  	_ =	shalt  }
0x84: {  	_ =	shalt  }
0x85: {  	_ =	shalt  }
0x86: {  	_ =	shalt  }
0x87: {  	_ =	shalt  }
.Lfunc_end0:
.L_simem_size_0:
called_computation.1_lowered:
.L_overlay_start_0:
0x88: {  	s2 =	sld [smem:$0x3FD9]  }
0x89: {  	s3 =	sld [smem:$0x3FFE];
	_ =	sdelay $0x1  }
0x8a: {  	s1 =	srdreg.scid  }
0x8b: {  	s0 =	sand.u32 $0x1, s1  }
0x8c: {  	s17 =	sshll.u32 s0, $0xA;
	s2 =	sadd.s32 s3, s2  }
0x8d: {  	s2 =	sadd.s32 s2, s17  }
0x8e: {  	[smem:$0x3FC6] =	sst s2  }
0x8f: {  	_ = 	snop  }
0x90: {  	s2 =	sld [smem:$0x3FD0];
	(tm) =	ssettm $0x1  }
0x91: {  	s18 =	sld [smem:$0x3FFB];
	_ =	sdelay $0x3  }
0x92: {  	_ =	strace s18  }
0x93: {  	s3 =	sld [smem:$0x3FFC];
	_ =	sdelay $0x3  }
0x94: {  	_ =	strace s3  }
0x95: {  	s3 =	sld [smem:$0x3FFD];
	_ =	sdelay $0x3  }
0x96: {  	_ =	strace s3  }
0x97: {  	_ =	strace $0x8FFFFFFF  }
0x98: {  	s19 =	sld [smem:$0x3FDB];
	_ =	sdelay $0x1  }
0x99: {  	s4 =	simm.s32 $_scs_section_size  }
0x9a: {  	s5 =	simm.s32 $_size__tile_overlayer_lowered;
	s6 =	simm.s32 $_tile_overlayer_lowered  }
0x9b: {  	s22 =	simm.s32 $0x1BFF;
	s21 =	sshll.u32 s6, $0x1;
	s3 =	sadd.s32 s4, s19  }
0x9c: {  	s7 =	simm.s32 $0x0;
	s20 =	sshll.u32 s5, $0x1;
	s5 =	sadd.s32 s21, s3  }
0x9d: {  	[timem:s7], [sflag:s22] =	dma.local [hbm:s5], s20  }
0x9e: {  	_ =	swait.ge [sflag:s22], s20  }
0x9f: {  	s4 =	ssub.s32 $0x0, s20;
	[sflag:s22] =	ssyncset.done $0x0  }
0xa0: {  	[sflag:s22] =	ssyncadd.s32 s4;
	_ =	sdelay $0x1  }
0xa1: {  	s23 =	simm.s32 $0x1B8B  }
0xa2: {  	_ =	swait.ge [sflag:s23], $0x1  }
0xa3: {  	[sflag:s23] =	ssyncset.done $0x0  }
0xa4: {  	s25 =	simm.s32 $0x1B8E;
	s24 =	sld [smem:$0x3FFE];
	[sflag:s23] =	ssyncadd.s32 $0xFFFFFFFF  }
0xa5: {  	s26 =	simm.s32 $execute0_lowered;
	[smem:$0x3FD2] =	sst s25  }
0xa6: {  	s5 =	sshll.u32 s26, $0x1;
	_ =	strace $0x80000046;
	[dreg:$0x1] =	wrdreg $0xFFFFFFFF  }
0xa7: {  	s28 =	simm.s32 $_size_execute0_lowered;
	s3 =	sadd.s32 s3, s5;
	[dreg:$0x0] =	wrdreg $0x0  }
0xa8: {  	s5 =	sshll.u32 s28, $0x1;
	[dreg:$0x2] =	wrdreg s3  }
0xa9: {  	[dreg:$0x3] =	wrdreg s5  }
0xaa: {  	[dreg:$0x4] =	wrdreg $0xC0  }
0xab: {  	_ =	task [dreg:s7], $0x5FFFF  }
0xac: {  	[dreg:$0x1] =	wrdreg $0xFFFFFFFF  }
0xad: {  	[dreg:$0x0] =	wrdreg $0x60  }
0xae: {  	[dreg:$0x2] =	wrdreg s24  }
0xaf: {  	[dreg:$0x3] =	wrdreg s2  }
0xb0: {  	[dreg:$0x4] =	wrdreg $0x9  }
0xb1: {  	_ =	task.clear_ibuf [dreg:s7], $0x5FFFF;
	_ =	strace $0x90000046  }
0xb2: {  	s29 =	simm.s32 $0x9;
	_ =	strace $0x80000048  }
0xb3: {  	_ =	swait.ge [sflag:s29], $0x1  }
0xb4: {  	[sflag:s29] =	ssyncadd.s32 $0xFFFFFFFF  }
0xb5: {  	_ =	strace $0x90000048  }
0xb6: {  	_ =	sfence  }
0xb7: {  	s30 =	sld [smem:$0x0];
	_ =	sdelay $0x2  }
0xb8: {  	s31 =	sshll.u32 s1, $0xD;
	s1 =	sshrl.u32 s1, $0x2  }
0xb9: {  	s3 =	sand.u32 $0x4000, s31;
	s1 =	sadd.s32 s1, s30  }
0xba: {  	s0 =	sor.u32 s3, s0;
	s1 =	sshll.u32 s1, $0x11  }
0xbb: {  	s0 =	sor.u32 s1, s0  }
0xbc: {  	s0 =	sadd.s32 $0x8F2B, s0  }
0xbd: {  	[sflag:s0] =	ssyncadd.remote.s32 $0x1  }
0xbe: {  	_ =	sfence.sel $0xFFFF  }
0xbf: {  	[dreg:$0x0] =	wrdreg $0xFFFFFFFF;
	(pc) =	sbr.abs _section_cstart, $3  }
0xc0: {  	[dreg:$0x1] =	wrdreg $0xFFFFFFFF  }
0xc1: {  	_ =	task.clear_ibuf [dreg:s7], $0x2FFFF;
	_ =	strace $0x9FFFFFFF  }
0xc2: {  	(tm) =	ssettm $0x7FFFFFFF  }
0xc3: {  	_ =	shalt  }
tec
execute0_lowered:
.L_overlay_start_1:
0x0: {  	(tag) =	ssettag $0x1  }
0x1: {  	s0 =	srdreg.scid  }
0x2: {  	s8 =	stileid.u32;
	s3 =	rddreg [dreg:$0x0]  }
0x3: {  	s9 =	rddreg [dreg:$0x1];
	s2 =	simm.s32 $0x0;
	s14 =	simm.s32 $0x5  }
0x4: {  	s15 =	simm.s32 $0x80;
	s16 =	simm.s32 $0x6400;
	s17 =	simm.s32 $0x8400  }
0x5: {  	s19 =	simm.s32 $0xA400;
	s28 =	simm.s32 $0x2;
	s5 =	smul.u32 $0x320000, s8  }
0x6: {  	s0 =	sand.u32 $0x1, s0;
	s1 =	sshll.u32 s8, $0x1;
	s8 =	smul.u32 $0xC800, s8  }
0x7: {  	s29 =	simm.s32 $0x3;
	s30 =	simm.s32 $0x4;
	s6 =	smul.u32 $0x190000, s0  }
0x8: {  	s1 =	sor.u32 s0, s1;
	s7 =	ssub.s32 $0x2, s0;
	s0 =	smul.u32 $0x6400, s0  }
0x9: {  	[smem:$0x7FF] =	sst s2;
	s4 =	smul.u32 $0x6400, s1;
	s10 =	sshrl.u32 s7, $0x1  }
0xa: {  	_ =	strace $0x80000047;
	s1 =	smul.u32 $0x190000, s1;
	s13 =	ssub.s32 s7, s10  }
0xb: {  	s20 =	sadd.s32 s6, s5;
	s0 =	sadd.s32 s0, s8;
	s4 =	sshrl.u32 s4, $0x3  }
0xc: {  	s1 =	sshrl.u32 s1, $0x3;
	s22 =	sshrl.u32 s20, $0x3;
	s0 =	sshll.u32 s0, $0x3  }
0xd: {  	s10 =	sor.u32 $0x8000, s20;
	s13 =	smax.u32 s13, $0x1;
	s20 =	simm.s32 $0x0  }
0xe: {  	s4 =	sadd.s32 s4, s3;
	s3 =	sadd.s32 $0xF42E00, s3;
	s24 =	sadd.s32 s22, s9  }
0xf: {  	s1 =	sadd.s32 s9, s1;
	s4 =	sadd.s32 $0xA00, s4;
	[dreg:$0x3] =	wrdreg s24  }
0x10: {  	s0 =	sadd.s32 s0, s9;
	s21 =	sadd.s32 $0x30000, s1;
	[dreg:$0xb] =	wrdreg s4  }
0x11: {  	s10 =	sshrl.u32 s10, $0x3;
	s23 =	sadd.s32 $0x30400, s1;
	[dreg:$0xc] =	wrdreg s21  }
0x12: {  	s22 =	simm.s32 $0xE400;
	s25 =	sadd.s32 $0xC00, s0;
	[dreg:$0xd] =	wrdreg s23  }
0x13: {  	s7 =	sadd.s32 $0x30800, s1;
	s26 =	sadd.s32 $0x800, s0;
	[dreg:$0x4] =	wrdreg s25  }
0x14: {  	s11 =	sadd.s32 $0x400, s0;
	s8 =	sadd.s32 $0x30C00, s1;
	[dreg:$0x5] =	wrdreg s26  }
0x15: {  	s10 =	sadd.s32 s10, s9;
	s9 =	sadd.s32 $0x31000, s1;
	[dreg:$0x6] =	wrdreg s11  }
0x16: {  	s31 =	sadd.s32 $0x1800, s0;
	s12 =	sadd.s32 $0x1400, s0;
	[dreg:$0x7] =	wrdreg s10  }
0x17: {  	s0 =	sadd.s32 $0x1C00, s0;
	s24 =	simm.s32 $0x12400;
	[dreg:$0x8] =	wrdreg s31  }
0x18: {  	s10 =	sadd.s32 $0x31400, s1;
	s11 =	sadd.s32 $0x31800, s1;
	[dreg:$0x9] =	wrdreg s12  }
0x19: {  	s12 =	sadd.s32 $0x31C00, s1;
	[dreg:$0xa] =	wrdreg s0;
	s21 =	simm.s32 $0xC400  }
0x1a: {  	s23 =	simm.s32 $0x10400;
	s25 =	simm.s32 $0x14400;
	s26 =	simm.s32 $0x1  }
.LBB2_1:
0x1b: {  	s0 =	rddreg [dreg:$0xb]  }
0x1c: {  	[tilespmem:s2], [sflag:$0x5] =	stream.linear.gather [hbm4b:s0+s2], $0x6400, $0x38;
	[tilespmem:$0x16400] =	vst v63  }
0x1d: {  	_ =	swait.ge [sflag:s14], $0x6400  }
0x1e: {  	[sflag:s14] =	ssyncset.done $0x0  }
0x1f: {  	[sflag:s14] =	ssyncadd.s32 $0xFFFF9C00  }
0x20: {  	[tilespmem:s16], [sflag:$0x1] =	stream.indirect.gather [hbm4b:s3+s15], $0x40, s2, s15, $0xb8;
	[tilespmem:$0x16400] =	vst v63  }
0x21: {  	_ = 	snop  }
0x22: {  	[tilespmem:s17], [sflag:$0x1] =	stream.indirect.gather [hbm4b:s3+s15], $0x40, s15, s15, $0xb8;
	[tilespmem:$0x16400] =	vst v63  }
0x23: {  	s1 =	simm.s32 $0x100  }
0x24: {  	[tilespmem:s19], [sflag:$0x1] =	stream.indirect.gather [hbm4b:s3+s15], $0x40, s1, s15, $0xb8;
	[tilespmem:$0x16400] =	vst v63  }
0x25: {  	s4 =	simm.s32 $0x180  }
0x26: {  	[tilespmem:s21], [sflag:$0x1] =	stream.indirect.gather [hbm4b:s3+s15], $0x40, s4, s15, $0xb8;
	[tilespmem:$0x16400] =	vst v63  }
0x27: {  	s5 =	simm.s32 $0x200  }
0x28: {  	[tilespmem:s22], [sflag:$0x2] =	stream.indirect.gather [hbm4b:s3+s15], $0x40, s5, s15, $0xb8;
	[tilespmem:$0x16400] =	vst v63  }
0x29: {  	s6 =	simm.s32 $0x280  }
0x2a: {  	[tilespmem:s23], [sflag:$0x2] =	stream.indirect.gather [hbm4b:s3+s15], $0x40, s6, s15, $0xb8;
	[tilespmem:$0x16400] =	vst v63  }
0x2b: {  	s18 =	simm.s32 $0x300  }
0x2c: {  	[tilespmem:s24], [sflag:$0x2] =	stream.indirect.gather [hbm4b:s3+s15], $0x40, s18, s15, $0xb8;
	[tilespmem:$0x16400] =	vst v63  }
0x2d: {  	s1 =	simm.s32 $0x380  }
0x2e: {  	[tilespmem:s25], [sflag:$0x2] =	stream.indirect.gather [hbm4b:s3+s15], $0x40, s1, s15, $0xb8;
	[tilespmem:$0x16400] =	vst v63  }
0x2f: {  	_ =	swait.ge [sflag:s26], $0x2000  }
0x30: {  	[sflag:s26] =	ssyncset.done $0x0  }
0x31: {  	[sflag:s26] =	ssyncadd.s32 $0xFFFFE000  }
0x32: {  	_ =	swait.ge [sflag:s26], $0x2000  }
0x33: {  	[sflag:s26] =	ssyncset.done $0x0  }
0x34: {  	[sflag:s26] =	ssyncadd.s32 $0xFFFFE000  }
0x35: {  	_ =	swait.ge [sflag:s26], $0x2000  }
0x36: {  	[sflag:s26] =	ssyncset.done $0x0  }
0x37: {  	[sflag:s26] =	ssyncadd.s32 $0xFFFFE000  }
0x38: {  	_ =	swait.ge [sflag:s26], $0x2000  }
0x39: {  	s4 =	rddreg [dreg:$0x3];
	[sflag:s26] =	ssyncset.done $0x0  }
0x3a: {  	s1 =	rddreg [dreg:$0x6];
	[sflag:s26] =	ssyncadd.s32 $0xFFFFE000;
	s0 =	sadd.s32 $0x0, s4  }
0x3b: {  	[hbm4b:s0+s2] =	stream.linear.scatter [tilespmem:s16], [sflag:$0x3], $0x2000, $0x38;
	[tilespmem:$0x16400] =	vst v63  }
0x3c: {  	s18 =	rddreg [dreg:$0x5];
	s5 =	sadd.s32 $0x0, s1  }
0x3d: {  	[hbm4b:s5+s2] =	stream.linear.scatter [tilespmem:s17], [sflag:$0x3], $0x2000, $0x38;
	[tilespmem:$0x16400] =	vst v63  }
0x3e: {  	s6 =	rddreg [dreg:$0x4];
	s4 =	sadd.s32 $0x0, s18  }
0x3f: {  	[hbm4b:s4+s2] =	stream.linear.scatter [tilespmem:s19], [sflag:$0x3], $0x2000, $0x38;
	[tilespmem:$0x16400] =	vst v63  }
0x40: {  	s5 =	sadd.s32 $0x0, s6  }
0x41: {  	[hbm4b:s5+s2] =	stream.linear.scatter [tilespmem:s21], [sflag:$0x3], $0x2000, $0x38;
	[tilespmem:$0x16400] =	vst v63  }
0x42: {  	_ =	swait.ge [sflag:s28], $0x2000  }
0x43: {  	[sflag:s28] =	ssyncset.done $0x0  }
0x44: {  	[sflag:s28] =	ssyncadd.s32 $0xFFFFE000  }
0x45: {  	_ =	swait.ge [sflag:s28], $0x2000  }
0x46: {  	[sflag:s28] =	ssyncset.done $0x0  }
0x47: {  	[sflag:s28] =	ssyncadd.s32 $0xFFFFE000  }
0x48: {  	_ =	swait.ge [sflag:s28], $0x2000  }
0x49: {  	[sflag:s28] =	ssyncset.done $0x0  }
0x4a: {  	[sflag:s28] =	ssyncadd.s32 $0xFFFFE000  }
0x4b: {  	_ =	swait.ge [sflag:s28], $0x2000  }
0x4c: {  	s6 =	rddreg [dreg:$0x7];
	[sflag:s28] =	ssyncset.done $0x0  }
0x4d: {  	s18 =	rddreg [dreg:$0x9];
	[sflag:s28] =	ssyncadd.s32 $0xFFFFE000;
	s0 =	sadd.s32 $0x0, s6  }
0x4e: {  	[hbm4b:s0+s2] =	stream.linear.scatter [tilespmem:s22], [sflag:$0x4], $0x2000, $0x38;
	[tilespmem:$0x16400] =	vst v63  }
0x4f: {  	s4 =	rddreg [dreg:$0x8];
	s5 =	sadd.s32 $0x0, s18  }
0x50: {  	[hbm4b:s5+s2] =	stream.linear.scatter [tilespmem:s23], [sflag:$0x4], $0x2000, $0x38;
	[tilespmem:$0x16400] =	vst v63  }
0x51: {  	s6 =	rddreg [dreg:$0xa];
	s18 =	sadd.s32 $0x0, s4  }
0x52: {  	[hbm4b:s18+s2] =	stream.linear.scatter [tilespmem:s24], [sflag:$0x4], $0x2000, $0x38;
	[tilespmem:$0x16400] =	vst v63  }
0x53: {  	s1 =	sadd.s32 $0x0, s6  }
0x54: {  	[hbm4b:s1+s2] =	stream.linear.scatter [tilespmem:s25], [sflag:$0x4], $0x2000, $0x38;
	[tilespmem:$0x16400] =	vst v63  }
0x55: {  	_ =	swait.ge [sflag:s29], $0x2000  }
0x56: {  	[sflag:s29] =	ssyncset.done $0x0  }
0x57: {  	[sflag:s29] =	ssyncadd.s32 $0xFFFFE000  }
0x58: {  	_ =	swait.ge [sflag:s29], $0x2000  }
0x59: {  	[sflag:s29] =	ssyncset.done $0x0  }
0x5a: {  	[sflag:s29] =	ssyncadd.s32 $0xFFFFE000  }
0x5b: {  	_ =	swait.ge [sflag:s29], $0x2000  }
0x5c: {  	[sflag:s29] =	ssyncset.done $0x0  }
0x5d: {  	[sflag:s29] =	ssyncadd.s32 $0xFFFFE000  }
0x5e: {  	_ =	swait.ge [sflag:s29], $0x2000  }
0x5f: {  	[sflag:s29] =	ssyncset.done $0x0  }
0x60: {  	s4 =	simm.s32 $0x400;
	[sflag:s29] =	ssyncadd.s32 $0xFFFFE000  }
0x61: {  	[tilespmem:s16], [sflag:$0x1] =	stream.indirect.gather [hbm4b:s3+s15], $0x40, s4, s15, $0xb8;
	[tilespmem:$0x16400] =	vst v63  }
0x62: {  	s5 =	simm.s32 $0x480  }
0x63: {  	[tilespmem:s17], [sflag:$0x1] =	stream.indirect.gather [hbm4b:s3+s15], $0x40, s5, s15, $0xb8;
	[tilespmem:$0x16400] =	vst v63  }
0x64: {  	s6 =	simm.s32 $0x500  }
0x65: {  	[tilespmem:s19], [sflag:$0x1] =	stream.indirect.gather [hbm4b:s3+s15], $0x40, s6, s15, $0xb8;
	[tilespmem:$0x16400] =	vst v63  }
0x66: {  	s18 =	simm.s32 $0x580  }
0x67: {  	[tilespmem:s21], [sflag:$0x1] =	stream.indirect.gather [hbm4b:s3+s15], $0x40, s18, s15, $0xb8;
	[tilespmem:$0x16400] =	vst v63  }
0x68: {  	_ =	swait.ge [sflag:s30], $0x2000  }
0x69: {  	[sflag:s30] =	ssyncset.done $0x0  }
0x6a: {  	[sflag:s30] =	ssyncadd.s32 $0xFFFFE000  }
0x6b: {  	_ =	swait.ge [sflag:s30], $0x2000  }
0x6c: {  	[sflag:s30] =	ssyncset.done $0x0  }
0x6d: {  	[sflag:s30] =	ssyncadd.s32 $0xFFFFE000  }
0x6e: {  	_ =	swait.ge [sflag:s30], $0x2000  }
0x6f: {  	[sflag:s30] =	ssyncset.done $0x0  }
0x70: {  	[sflag:s30] =	ssyncadd.s32 $0xFFFFE000  }
0x71: {  	s31 =	simm.s32 $0x980;
	_ =	swait.ge [sflag:s30], $0x2000  }
0x72: {  	s0 =	simm.s32 $0x4000;
	s1 =	simm.s32 $0x2000;
	[sflag:s30] =	ssyncset.done $0x0  }
.LBB2_2:
0x73: {  	s18 =	sadd.s32 $0xFFFFFC80, s31;
	[sflag:s30] =	ssyncadd.s32 $0xFFFFE000  }
0x74: {  	[tilespmem:s22], [sflag:$0x2] =	stream.indirect.gather [hbm4b:s3+s15], $0x40, s18, s15, $0xb8;
	[tilespmem:$0x16400] =	vst v63  }
0x75: {  	s4 =	sadd.s32 $0xFFFFFD00, s31  }
0x76: {  	[tilespmem:s23], [sflag:$0x2] =	stream.indirect.gather [hbm4b:s3+s15], $0x40, s4, s15, $0xb8;
	[tilespmem:$0x16400] =	vst v63  }
0x77: {  	s6 =	sadd.s32 $0xFFFFFD80, s31  }
0x78: {  	[tilespmem:s24], [sflag:$0x2] =	stream.indirect.gather [hbm4b:s3+s15], $0x40, s6, s15, $0xb8;
	[tilespmem:$0x16400] =	vst v63  }
0x79: {  	s5 =	sadd.s32 $0xFFFFFE00, s31  }
0x7a: {  	[tilespmem:s25], [sflag:$0x2] =	stream.indirect.gather [hbm4b:s3+s15], $0x40, s5, s15, $0xb8;
	[tilespmem:$0x16400] =	vst v63  }
0x7b: {  	_ =	swait.ge [sflag:s26], $0x2000  }
0x7c: {  	[sflag:s26] =	ssyncset.done $0x0  }
0x7d: {  	[sflag:s26] =	ssyncadd.s32 $0xFFFFE000  }
0x7e: {  	_ =	swait.ge [sflag:s26], $0x2000  }
0x7f: {  	[sflag:s26] =	ssyncset.done $0x0  }
0x80: {  	[sflag:s26] =	ssyncadd.s32 $0xFFFFE000  }
0x81: {  	_ =	swait.ge [sflag:s26], $0x2000  }
0x82: {  	[sflag:s26] =	ssyncset.done $0x0  }
0x83: {  	[sflag:s26] =	ssyncadd.s32 $0xFFFFE000  }
0x84: {  	_ =	swait.ge [sflag:s26], $0x2000  }
0x85: {  	s6 =	rddreg [dreg:$0x3];
	[sflag:s26] =	ssyncset.done $0x0  }
0x86: {  	s5 =	rddreg [dreg:$0x6];
	[sflag:s26] =	ssyncadd.s32 $0xFFFFE000;
	s4 =	sadd.s32 s1, s6  }
0x87: {  	[hbm4b:s4+s2] =	stream.linear.scatter [tilespmem:s16], [sflag:$0x3], $0x2000, $0x38;
	[tilespmem:$0x16400] =	vst v63  }
0x88: {  	s6 =	rddreg [dreg:$0x5];
	s4 =	sadd.s32 s1, s5  }
0x89: {  	[hbm4b:s4+s2] =	stream.linear.scatter [tilespmem:s17], [sflag:$0x3], $0x2000, $0x38;
	[tilespmem:$0x16400] =	vst v63  }
0x8a: {  	s5 =	rddreg [dreg:$0x4];
	s6 =	sadd.s32 s1, s6  }
0x8b: {  	[hbm4b:s6+s2] =	stream.linear.scatter [tilespmem:s19], [sflag:$0x3], $0x2000, $0x38;
	[tilespmem:$0x16400] =	vst v63  }
0x8c: {  	s5 =	sadd.s32 s1, s5  }
0x8d: {  	[hbm4b:s5+s2] =	stream.linear.scatter [tilespmem:s21], [sflag:$0x3], $0x2000, $0x38;
	[tilespmem:$0x16400] =	vst v63  }
0x8e: {  	_ =	swait.ge [sflag:s28], $0x2000  }
0x8f: {  	[sflag:s28] =	ssyncset.done $0x0  }
0x90: {  	[sflag:s28] =	ssyncadd.s32 $0xFFFFE000  }
0x91: {  	_ =	swait.ge [sflag:s28], $0x2000  }
0x92: {  	[sflag:s28] =	ssyncset.done $0x0  }
0x93: {  	[sflag:s28] =	ssyncadd.s32 $0xFFFFE000  }
0x94: {  	_ =	swait.ge [sflag:s28], $0x2000  }
0x95: {  	[sflag:s28] =	ssyncset.done $0x0  }
0x96: {  	[sflag:s28] =	ssyncadd.s32 $0xFFFFE000  }
0x97: {  	_ =	swait.ge [sflag:s28], $0x2000  }
0x98: {  	s6 =	rddreg [dreg:$0x7];
	[sflag:s28] =	ssyncset.done $0x0  }
0x99: {  	s5 =	rddreg [dreg:$0x9];
	[sflag:s28] =	ssyncadd.s32 $0xFFFFE000;
	s4 =	sadd.s32 s1, s6  }
0x9a: {  	[hbm4b:s4+s2] =	stream.linear.scatter [tilespmem:s22], [sflag:$0x4], $0x2000, $0x38;
	[tilespmem:$0x16400] =	vst v63  }
0x9b: {  	s6 =	rddreg [dreg:$0x8];
	s4 =	sadd.s32 s1, s5  }
0x9c: {  	[hbm4b:s4+s2] =	stream.linear.scatter [tilespmem:s23], [sflag:$0x4], $0x2000, $0x38;
	[tilespmem:$0x16400] =	vst v63  }
0x9d: {  	s5 =	rddreg [dreg:$0xa];
	s6 =	sadd.s32 s1, s6  }
0x9e: {  	[hbm4b:s6+s2] =	stream.linear.scatter [tilespmem:s24], [sflag:$0x4], $0x2000, $0x38;
	[tilespmem:$0x16400] =	vst v63  }
0x9f: {  	s6 =	sadd.s32 s1, s5  }
0xa0: {  	[hbm4b:s6+s2] =	stream.linear.scatter [tilespmem:s25], [sflag:$0x4], $0x2000, $0x38;
	[tilespmem:$0x16400] =	vst v63  }
0xa1: {  	_ =	swait.ge [sflag:s29], $0x2000  }
0xa2: {  	[sflag:s29] =	ssyncset.done $0x0  }
0xa3: {  	[sflag:s29] =	ssyncadd.s32 $0xFFFFE000  }
0xa4: {  	_ =	swait.ge [sflag:s29], $0x2000  }
0xa5: {  	[sflag:s29] =	ssyncset.done $0x0  }
0xa6: {  	[sflag:s29] =	ssyncadd.s32 $0xFFFFE000  }
0xa7: {  	_ =	swait.ge [sflag:s29], $0x2000  }
0xa8: {  	[sflag:s29] =	ssyncset.done $0x0  }
0xa9: {  	[sflag:s29] =	ssyncadd.s32 $0xFFFFE000  }
0xaa: {  	_ =	swait.ge [sflag:s29], $0x2000  }
0xab: {  	[sflag:s29] =	ssyncset.done $0x0  }
0xac: {  	s5 =	sadd.s32 $0xFFFFFE80, s31;
	[sflag:s29] =	ssyncadd.s32 $0xFFFFE000  }
0xad: {  	[tilespmem:s16], [sflag:$0x1] =	stream.indirect.gather [hbm4b:s3+s15], $0x40, s5, s15, $0xb8;
	[tilespmem:$0x16400] =	vst v63  }
0xae: {  	s18 =	smov.u32 s0;
	s6 =	sadd.s32 $0xFFFFFF00, s31  }
0xaf: {  	[tilespmem:s17], [sflag:$0x1] =	stream.indirect.gather [hbm4b:s3+s15], $0x40, s6, s15, $0xb8;
	[tilespmem:$0x16400] =	vst v63  }
0xb0: {  	s1 =	smov.u32 s18;
	s18 =	sadd.s32 $0xFFFFFF80, s31  }
0xb1: {  	[tilespmem:s19], [sflag:$0x1] =	stream.indirect.gather [hbm4b:s3+s15], $0x40, s18, s15, $0xb8;
	[tilespmem:$0x16400] =	vst v63  }
0xb2: {  	_ = 	snop  }
0xb3: {  	[tilespmem:s21], [sflag:$0x1] =	stream.indirect.gather [hbm4b:s3+s15], $0x40, s31, s15, $0xb8;
	[tilespmem:$0x16400] =	vst v63  }
0xb4: {  	_ =	swait.ge [sflag:s30], $0x2000  }
0xb5: {  	[sflag:s30] =	ssyncset.done $0x0  }
0xb6: {  	[sflag:s30] =	ssyncadd.s32 $0xFFFFE000  }
0xb7: {  	_ =	swait.ge [sflag:s30], $0x2000  }
0xb8: {  	[sflag:s30] =	ssyncset.done $0x0  }
0xb9: {  	p0 =	sne.s32 s0, $0x2E000;
	[sflag:s30] =	ssyncadd.s32 $0xFFFFE000  }
.Ltmp0:
0xba: {  	_ =	swait.ge [sflag:s30], $0x2000;
	(pc) =	sbr.rel @p0 .LBB2_2-.Ltmp0, $4  }
0xbb: {  	[sflag:s30] =	ssyncset.done $0x0  }
0xbc: {  	[sflag:s30] =	ssyncadd.s32 $0xFFFFE000  }
0xbd: {  	_ =	swait.ge [sflag:s30], $0x2000  }
0xbe: {  	s0 =	sadd.s32 $0x2000, s0;
	s31 =	sadd.s32 $0x400, s31;
	[sflag:s30] =	ssyncset.done $0x0  }
0xbf: {  	s0 =	sadd.s32 $0xFFFFFC80, s31;
	[sflag:s30] =	ssyncadd.s32 $0xFFFFE000  }
0xc0: {  	[tilespmem:s22], [sflag:$0x2] =	stream.indirect.gather [hbm4b:s3+s15], $0x40, s0, s15, $0xb8;
	[tilespmem:$0x16400] =	vst v63  }
0xc1: {  	s4 =	sadd.s32 $0xFFFFFD00, s31  }
0xc2: {  	[tilespmem:s23], [sflag:$0x2] =	stream.indirect.gather [hbm4b:s3+s15], $0x40, s4, s15, $0xb8;
	[tilespmem:$0x16400] =	vst v63  }
0xc3: {  	s5 =	sadd.s32 $0xFFFFFD80, s31  }
0xc4: {  	[tilespmem:s24], [sflag:$0x2] =	stream.indirect.gather [hbm4b:s3+s15], $0x40, s5, s15, $0xb8;
	[tilespmem:$0x16400] =	vst v63  }
0xc5: {  	s6 =	sadd.s32 $0xFFFFFE00, s31  }
0xc6: {  	[tilespmem:s25], [sflag:$0x2] =	stream.indirect.gather [hbm4b:s3+s15], $0x40, s6, s15, $0xb8;
	[tilespmem:$0x16400] =	vst v63  }
0xc7: {  	_ =	swait.ge [sflag:s26], $0x2000  }
0xc8: {  	[sflag:s26] =	ssyncset.done $0x0  }
0xc9: {  	[sflag:s26] =	ssyncadd.s32 $0xFFFFE000  }
0xca: {  	_ =	swait.ge [sflag:s26], $0x2000  }
0xcb: {  	[sflag:s26] =	ssyncset.done $0x0  }
0xcc: {  	[sflag:s26] =	ssyncadd.s32 $0xFFFFE000  }
0xcd: {  	_ =	swait.ge [sflag:s26], $0x2000  }
0xce: {  	[sflag:s26] =	ssyncset.done $0x0  }
0xcf: {  	[sflag:s26] =	ssyncadd.s32 $0xFFFFE000  }
0xd0: {  	_ =	swait.ge [sflag:s26], $0x2000  }
0xd1: {  	s18 =	rddreg [dreg:$0x3];
	[sflag:s26] =	ssyncset.done $0x0  }
0xd2: {  	s4 =	rddreg [dreg:$0x6];
	[sflag:s26] =	ssyncadd.s32 $0xFFFFE000;
	s0 =	sadd.s32 s1, s18  }
0xd3: {  	[hbm4b:s0+s2] =	stream.linear.scatter [tilespmem:s16], [sflag:$0x3], $0x2000, $0x38;
	[tilespmem:$0x16400] =	vst v63  }
0xd4: {  	s5 =	rddreg [dreg:$0x5];
	s4 =	sadd.s32 s1, s4  }
0xd5: {  	[hbm4b:s4+s2] =	stream.linear.scatter [tilespmem:s17], [sflag:$0x3], $0x2000, $0x38;
	[tilespmem:$0x16400] =	vst v63  }
0xd6: {  	s6 =	rddreg [dreg:$0x4];
	s0 =	sadd.s32 s1, s5  }
0xd7: {  	[hbm4b:s0+s2] =	stream.linear.scatter [tilespmem:s19], [sflag:$0x3], $0x2000, $0x38;
	[tilespmem:$0x16400] =	vst v63  }
0xd8: {  	s18 =	sadd.s32 s1, s6  }
0xd9: {  	[hbm4b:s18+s2] =	stream.linear.scatter [tilespmem:s21], [sflag:$0x3], $0x2000, $0x38;
	[tilespmem:$0x16400] =	vst v63  }
0xda: {  	_ =	swait.ge [sflag:s28], $0x2000  }
0xdb: {  	[sflag:s28] =	ssyncset.done $0x0  }
0xdc: {  	[sflag:s28] =	ssyncadd.s32 $0xFFFFE000  }
0xdd: {  	_ =	swait.ge [sflag:s28], $0x2000  }
0xde: {  	[sflag:s28] =	ssyncset.done $0x0  }
0xdf: {  	[sflag:s28] =	ssyncadd.s32 $0xFFFFE000  }
0xe0: {  	_ =	swait.ge [sflag:s28], $0x2000  }
0xe1: {  	[sflag:s28] =	ssyncset.done $0x0  }
0xe2: {  	[sflag:s28] =	ssyncadd.s32 $0xFFFFE000  }
0xe3: {  	_ =	swait.ge [sflag:s28], $0x2000  }
0xe4: {  	s4 =	rddreg [dreg:$0x7];
	[sflag:s28] =	ssyncset.done $0x0  }
0xe5: {  	s5 =	rddreg [dreg:$0x9];
	[sflag:s28] =	ssyncadd.s32 $0xFFFFE000;
	s0 =	sadd.s32 s1, s4  }
0xe6: {  	[hbm4b:s0+s2] =	stream.linear.scatter [tilespmem:s22], [sflag:$0x4], $0x2000, $0x38;
	[tilespmem:$0x16400] =	vst v63  }
0xe7: {  	s6 =	rddreg [dreg:$0x8];
	s4 =	sadd.s32 s1, s5  }
0xe8: {  	[hbm4b:s4+s2] =	stream.linear.scatter [tilespmem:s23], [sflag:$0x4], $0x2000, $0x38;
	[tilespmem:$0x16400] =	vst v63  }
0xe9: {  	s18 =	rddreg [dreg:$0xa];
	s0 =	sadd.s32 s1, s6  }
0xea: {  	[hbm4b:s0+s2] =	stream.linear.scatter [tilespmem:s24], [sflag:$0x4], $0x2000, $0x38;
	[tilespmem:$0x16400] =	vst v63  }
0xeb: {  	s4 =	sadd.s32 s1, s18  }
0xec: {  	[hbm4b:s4+s2] =	stream.linear.scatter [tilespmem:s25], [sflag:$0x4], $0x2000, $0x38;
	[tilespmem:$0x16400] =	vst v63  }
0xed: {  	_ =	swait.ge [sflag:s29], $0x2000  }
0xee: {  	[sflag:s29] =	ssyncset.done $0x0  }
0xef: {  	[sflag:s29] =	ssyncadd.s32 $0xFFFFE000  }
0xf0: {  	_ =	swait.ge [sflag:s29], $0x2000  }
0xf1: {  	[sflag:s29] =	ssyncset.done $0x0  }
0xf2: {  	[sflag:s29] =	ssyncadd.s32 $0xFFFFE000  }
0xf3: {  	_ =	swait.ge [sflag:s29], $0x2000  }
0xf4: {  	[sflag:s29] =	ssyncset.done $0x0  }
0xf5: {  	[sflag:s29] =	ssyncadd.s32 $0xFFFFE000  }
0xf6: {  	_ =	swait.ge [sflag:s29], $0x2000  }
0xf7: {  	[sflag:s29] =	ssyncset.done $0x0  }
0xf8: {  	s5 =	sadd.s32 $0xFFFFFE80, s31;
	[sflag:s29] =	ssyncadd.s32 $0xFFFFE000  }
0xf9: {  	[tilespmem:s16], [sflag:$0x1] =	stream.indirect.gather [hbm4b:s3+s15], $0x40, s5, s15, $0xb8;
	[tilespmem:$0x16400] =	vst v63  }
0xfa: {  	s6 =	sadd.s32 $0xFFFFFF00, s31  }
0xfb: {  	[tilespmem:s17], [sflag:$0x1] =	stream.indirect.gather [hbm4b:s3+s15], $0x40, s6, s15, $0xb8;
	[tilespmem:$0x16400] =	vst v63  }
0xfc: {  	s18 =	sadd.s32 $0xFFFFFF80, s31  }
0xfd: {  	[tilespmem:s19], [sflag:$0x1] =	stream.indirect.gather [hbm4b:s3+s15], $0x40, s18, s15, $0xb8;
	[tilespmem:$0x16400] =	vst v63  }
0xfe: {  	_ = 	snop  }
0xff: {  	[tilespmem:s21], [sflag:$0x1] =	stream.indirect.gather [hbm4b:s3+s15], $0x40, s31, s15, $0xb8;
	[tilespmem:$0x16400] =	vst v63  }
0x100: {  	_ =	swait.ge [sflag:s30], $0x2000  }
0x101: {  	[sflag:s30] =	ssyncset.done $0x0  }
0x102: {  	[sflag:s30] =	ssyncadd.s32 $0xFFFFE000  }
0x103: {  	_ =	swait.ge [sflag:s30], $0x2000  }
0x104: {  	[sflag:s30] =	ssyncset.done $0x0  }
0x105: {  	[sflag:s30] =	ssyncadd.s32 $0xFFFFE000  }
0x106: {  	_ =	swait.ge [sflag:s30], $0x2000  }
0x107: {  	[sflag:s30] =	ssyncset.done $0x0  }
0x108: {  	[sflag:s30] =	ssyncadd.s32 $0xFFFFE000  }
0x109: {  	_ =	swait.ge [sflag:s30], $0x2000  }
0x10a: {  	[sflag:s30] =	ssyncset.done $0x0  }
0x10b: {  	s1 =	simm.s32 $0x6200;
	[sflag:s30] =	ssyncadd.s32 $0xFFFFE000  }
0x10c: {  	[tilespmem:s22], [sflag:$0x2] =	stream.indirect.gather [hbm4b:s3+s15], $0x40, s1, s15, $0xb8;
	[tilespmem:$0x16400] =	vst v63  }
0x10d: {  	s4 =	simm.s32 $0x6280  }
0x10e: {  	[tilespmem:s23], [sflag:$0x2] =	stream.indirect.gather [hbm4b:s3+s15], $0x40, s4, s15, $0xb8;
	[tilespmem:$0x16400] =	vst v63  }
0x10f: {  	s5 =	simm.s32 $0x6300  }
0x110: {  	[tilespmem:s24], [sflag:$0x2] =	stream.indirect.gather [hbm4b:s3+s15], $0x40, s5, s15, $0xb8;
	[tilespmem:$0x16400] =	vst v63  }
0x111: {  	s6 =	simm.s32 $0x6380  }
0x112: {  	[tilespmem:s25], [sflag:$0x2] =	stream.indirect.gather [hbm4b:s3+s15], $0x40, s6, s15, $0xb8;
	[tilespmem:$0x16400] =	vst v63  }
0x113: {  	_ =	swait.ge [sflag:s26], $0x2000  }
0x114: {  	[sflag:s26] =	ssyncset.done $0x0  }
0x115: {  	[sflag:s26] =	ssyncadd.s32 $0xFFFFE000  }
0x116: {  	_ =	swait.ge [sflag:s26], $0x2000  }
0x117: {  	[sflag:s26] =	ssyncset.done $0x0  }
0x118: {  	[sflag:s26] =	ssyncadd.s32 $0xFFFFE000  }
0x119: {  	_ =	swait.ge [sflag:s26], $0x2000  }
0x11a: {  	[sflag:s26] =	ssyncset.done $0x0  }
0x11b: {  	[sflag:s26] =	ssyncadd.s32 $0xFFFFE000  }
0x11c: {  	_ =	swait.ge [sflag:s26], $0x2000  }
0x11d: {  	[sflag:s26] =	ssyncset.done $0x0  }
0x11e: {  	s18 =	rddreg [dreg:$0xc];
	[sflag:s26] =	ssyncadd.s32 $0xFFFFE000  }
0x11f: {  	[hbm4b:s18+s2] =	stream.linear.scatter [tilespmem:s16], [sflag:$0x3], $0x2000, $0x38;
	[tilespmem:$0x16400] =	vst v63  }
0x120: {  	s31 =	rddreg [dreg:$0xd]  }
0x121: {  	[hbm4b:s31+s2] =	stream.linear.scatter [tilespmem:s17], [sflag:$0x3], $0x2000, $0x38;
	[tilespmem:$0x16400] =	vst v63  }
0x122: {  	_ = 	snop  }
0x123: {  	[hbm4b:s7+s2] =	stream.linear.scatter [tilespmem:s19], [sflag:$0x3], $0x2000, $0x38;
	[tilespmem:$0x16400] =	vst v63  }
0x124: {  	_ = 	snop  }
0x125: {  	[hbm4b:s8+s2] =	stream.linear.scatter [tilespmem:s21], [sflag:$0x3], $0x2000, $0x38;
	[tilespmem:$0x16400] =	vst v63  }
0x126: {  	_ =	swait.ge [sflag:s28], $0x2000  }
0x127: {  	[sflag:s28] =	ssyncset.done $0x0  }
0x128: {  	[sflag:s28] =	ssyncadd.s32 $0xFFFFE000  }
0x129: {  	_ =	swait.ge [sflag:s28], $0x2000  }
0x12a: {  	[sflag:s28] =	ssyncset.done $0x0  }
0x12b: {  	[sflag:s28] =	ssyncadd.s32 $0xFFFFE000  }
0x12c: {  	_ =	swait.ge [sflag:s28], $0x2000  }
0x12d: {  	[sflag:s28] =	ssyncset.done $0x0  }
0x12e: {  	[sflag:s28] =	ssyncadd.s32 $0xFFFFE000  }
0x12f: {  	_ =	swait.ge [sflag:s28], $0x2000  }
0x130: {  	[sflag:s28] =	ssyncset.done $0x0  }
0x131: {  	[sflag:s28] =	ssyncadd.s32 $0xFFFFE000  }
0x132: {  	[hbm4b:s9+s2] =	stream.linear.scatter [tilespmem:s22], [sflag:$0x4], $0x2000, $0x38;
	[tilespmem:$0x16400] =	vst v63  }
0x133: {  	_ = 	snop  }
0x134: {  	[hbm4b:s10+s2] =	stream.linear.scatter [tilespmem:s23], [sflag:$0x4], $0x2000, $0x38;
	[tilespmem:$0x16400] =	vst v63  }
0x135: {  	_ = 	snop  }
0x136: {  	[hbm4b:s11+s2] =	stream.linear.scatter [tilespmem:s24], [sflag:$0x4], $0x2000, $0x38;
	[tilespmem:$0x16400] =	vst v63  }
0x137: {  	_ = 	snop  }
0x138: {  	[hbm4b:s12+s2] =	stream.linear.scatter [tilespmem:s25], [sflag:$0x4], $0x2000, $0x38;
	[tilespmem:$0x16400] =	vst v63  }
0x139: {  	_ =	swait.ge [sflag:s29], $0x2000  }
0x13a: {  	[sflag:s29] =	ssyncset.done $0x0  }
0x13b: {  	[sflag:s29] =	ssyncadd.s32 $0xFFFFE000  }
0x13c: {  	_ =	swait.ge [sflag:s29], $0x2000  }
0x13d: {  	[sflag:s29] =	ssyncset.done $0x0  }
0x13e: {  	[sflag:s29] =	ssyncadd.s32 $0xFFFFE000  }
0x13f: {  	_ =	swait.ge [sflag:s29], $0x2000  }
0x140: {  	[sflag:s29] =	ssyncset.done $0x0  }
0x141: {  	[sflag:s29] =	ssyncadd.s32 $0xFFFFE000  }
0x142: {  	_ =	swait.ge [sflag:s29], $0x2000  }
0x143: {  	[sflag:s29] =	ssyncset.done $0x0  }
0x144: {  	[sflag:s29] =	ssyncadd.s32 $0xFFFFE000  }
0x145: {  	_ =	swait.ge [sflag:s30], $0x2000  }
0x146: {  	[sflag:s30] =	ssyncset.done $0x0  }
0x147: {  	[sflag:s30] =	ssyncadd.s32 $0xFFFFE000  }
0x148: {  	_ =	swait.ge [sflag:s30], $0x2000  }
0x149: {  	[sflag:s30] =	ssyncset.done $0x0  }
0x14a: {  	s20 =	sadd.s32 $0x1, s20;
	[sflag:s30] =	ssyncadd.s32 $0xFFFFE000  }
0x14b: {  	p0 =	sne.s32 s20, s13;
	_ =	swait.ge [sflag:s30], $0x2000  }
.Ltmp1:
0x14c: {  	[sflag:s30] =	ssyncset.done $0x0;
	(pc) =	sbr.rel @p0 .LBB2_1-.Ltmp1, $4  }
0x14d: {  	[sflag:s30] =	ssyncadd.s32 $0xFFFFE000  }
0x14e: {  	_ =	swait.ge [sflag:s30], $0x2000  }
0x14f: {  	[sflag:s30] =	ssyncset.done $0x0  }
0x150: {  	[sflag:s30] =	ssyncadd.s32 $0xFFFFE000  }
0x151: {  	_ =	sfence.sel $0x180000  }
0x152: {  	[bflag:$0x0] =	sbarrier.arrive $0xFFFF  }
0x153: {  	_ =	strace $0x90000047  }
0x154: {  	s0 =	stileid.u32;
	[bflag:$0x2] =	sbarrier.arrive $0xFFFF  }
0x155: {  	p0 =	sne.s32 s0, $0x0;
	s0 =	rddreg [dreg:$0x2]  }
0x156: {  	s0 =	sadd.s32 @!p0 $0x100000, s0  }
0x157: {  	[sflag:s0] =	ssyncadd.tile.s32 @!p0 $0x1;
	_ =	shalt  }
.Lfunc_end2:
_tile_overlayer_lowered:
.L_overlay_start_2:
0x158: {  	(tag) =	ssettag $0x2  }
0x159: {  	s0 =	rddreg [dreg:$0x0];
	s2 =	stileid.u32  }
0x15a: {  	s1 =	rddreg [dreg:$0x1];
	p0 =	sne.s32 s2, $0x0  }
0x15b: {  	s3 =	rddreg [dreg:$0x2];
	[bflag:$0x3] =	sbarrier.arrive $0xFFFF;
	s2 =	simm.s32 @!p0 $0x1C05  }
0x15c: {  	[timem:s3], [sflag:s2] =	dma.local @!p0 [hbm:s0], s1  }
0x15d: {  	s0 =	simm.s32 @!p0 $0x5  }
0x15e: {  	_ =	swait.ge @!p0 [sflag:s0], s1  }
0x15f: {  	s1 =	ssub.s32 @!p0 $0x0, s1;
	[sflag:s0] =	ssyncset.done @!p0 $0x0  }
0x160: {  	[sflag:s0] =	ssyncadd.s32 @!p0 s1  }
0x161: {  	[bflag:$0x3] =	sbarrier.arrive $0xFFFF  }
0x162: {  	_ =	shalt  }

// kernel: sparse-core-data-format-call.cloned.1.call-start
scs
called_computation_lowered:
.L_overlay_start_0:
0x0: {  	s2 =	sld [smem:$0x3FD9]  }
0x1: {  	s3 =	sld [smem:$0x3FFE];
	_ =	sdelay $0x1  }
0x2: {  	s1 =	srdreg.scid  }
0x3: {  	s0 =	sand.u32 $0x1, s1  }
0x4: {  	s18 =	sshll.u32 s0, $0xA;
	s2 =	sadd.s32 s3, s2  }
0x5: {  	s2 =	sadd.s32 s2, s18  }
0x6: {  	[smem:$0x3FC6] =	sst s2  }
0x7: {  	_ = 	snop  }
0x8: {  	s2 =	sld [smem:$0x3FD0];
	(tm) =	ssettm $0x1  }
0x9: {  	s19 =	sld [smem:$0x3FFB];
	_ =	sdelay $0x3  }
0xa: {  	_ =	strace s19  }
0xb: {  	s3 =	sld [smem:$0x3FFC];
	_ =	sdelay $0x3  }
0xc: {  	_ =	strace s3  }
0xd: {  	s3 =	sld [smem:$0x3FFD];
	_ =	sdelay $0x3  }
0xe: {  	_ =	strace s3  }
0xf: {  	_ =	strace $0x8FFFFFFF  }
0x10: {  	s20 =	sld [smem:$0x3FDB];
	_ =	sdelay $0x1  }
0x11: {  	s4 =	simm.s32 $_scs_section_size  }
0x12: {  	s5 =	simm.s32 $_size__tile_overlayer_lowered;
	s6 =	simm.s32 $_tile_overlayer_lowered  }
0x13: {  	s23 =	simm.s32 $0x1BFF;
	s22 =	sshll.u32 s6, $0x1;
	s3 =	sadd.s32 s4, s20  }
0x14: {  	s7 =	simm.s32 $0x0;
	s21 =	sshll.u32 s5, $0x1;
	s5 =	sadd.s32 s22, s3  }
0x15: {  	[timem:s7], [sflag:s23] =	dma.local [hbm:s5], s21  }
0x16: {  	_ =	swait.ge [sflag:s23], s21  }
0x17: {  	s4 =	ssub.s32 $0x0, s21;
	[sflag:s23] =	ssyncset.done $0x0  }
0x18: {  	[sflag:s23] =	ssyncadd.s32 s4;
	_ =	sdelay $0x1  }
0x19: {  	s24 =	simm.s32 $0x1B8B  }
0x1a: {  	_ =	swait.ge [sflag:s24], $0x1  }
0x1b: {  	[sflag:s24] =	ssyncset.done $0x0  }
0x1c: {  	s26 =	simm.s32 $0x1B8E;
	s25 =	sld [smem:$0x3FFE];
	[sflag:s24] =	ssyncadd.s32 $0xFFFFFFFF  }
0x1d: {  	s27 =	simm.s32 $execute0_lowered;
	[smem:$0x3FD2] =	sst s26  }
0x1e: {  	s5 =	sshll.u32 s27, $0x1;
	_ =	strace $0x80000049;
	[dreg:$0x1] =	wrdreg $0xFFFFFFFF  }
0x1f: {  	s28 =	simm.s32 $_size_execute0_lowered;
	s3 =	sadd.s32 s3, s5;
	[dreg:$0x0] =	wrdreg $0x0  }
0x20: {  	s5 =	sshll.u32 s28, $0x1;
	[dreg:$0x2] =	wrdreg s3  }
0x21: {  	[dreg:$0x3] =	wrdreg s5  }
0x22: {  	[dreg:$0x4] =	wrdreg $0xC0  }
0x23: {  	_ =	task [dreg:s7], $0x5FFFF  }
0x24: {  	[dreg:$0x1] =	wrdreg $0xFFFFFFFF  }
0x25: {  	[dreg:$0x0] =	wrdreg $0x60  }
0x26: {  	[dreg:$0x2] =	wrdreg s25  }
0x27: {  	[dreg:$0x3] =	wrdreg s2  }
0x28: {  	[dreg:$0x4] =	wrdreg $0x9  }
0x29: {  	_ =	task.clear_ibuf [dreg:s7], $0x5FFFF;
	_ =	strace $0x90000049  }
0x2a: {  	s29 =	simm.s32 $0x9;
	_ =	strace $0x8000004B  }
0x2b: {  	_ =	swait.ge [sflag:s29], $0x1  }
0x2c: {  	[sflag:s29] =	ssyncadd.s32 $0xFFFFFFFF  }
0x2d: {  	_ =	strace $0x9000004B  }
0x2e: {  	_ =	sfence  }
0x2f: {  	s30 =	sld [smem:$0x0];
	_ =	sdelay $0x2  }
0x30: {  	s31 =	sshll.u32 s1, $0xD;
	s1 =	sshrl.u32 s1, $0x2  }
0x31: {  	s3 =	sand.u32 $0x4000, s31;
	s1 =	sadd.s32 s1, s30  }
0x32: {  	s0 =	sor.u32 s3, s0;
	s1 =	sshll.u32 s1, $0x11  }
0x33: {  	s0 =	sor.u32 s1, s0  }
0x34: {  	s0 =	sadd.s32 $0x8F2B, s0  }
0x35: {  	[sflag:s0] =	ssyncadd.remote.s32 $0x1  }
0x36: {  	_ =	sfence.sel $0xFFFF  }
0x37: {  	[dreg:$0x0] =	wrdreg $0xFFFFFFFF;
	(pc) =	sbr.abs _section_cstart, $3  }
0x38: {  	[dreg:$0x1] =	wrdreg $0xFFFFFFFF  }
0x39: {  	_ =	task.clear_ibuf [dreg:s7], $0x2FFFF;
	_ =	strace $0x9FFFFFFF  }
0x3a: {  	(tm) =	ssettm $0x7FFFFFFF  }
0x3b: {  	_ =	shalt  }
tec
execute0_lowered:
.L_overlay_start_1:
0x0: {  	(tag) =	ssettag $0x1  }
0x1: {  	s0 =	srdreg.scid  }
0x2: {  	s1 =	sshll.u32 s0, $0x4  }
0x3: {  	s0 =	stileid.u32;
	s1 =	sand.u32 $0x10, s1  }
0x4: {  	s1 =	sor.u32 s0, s1  }
0x5: {  	s6 =	rddreg [dreg:$0x0];
	s4 =	simm.s32 $0x1;
	s2 =	sshll.u32 s1, $0x7  }
0x6: {  	s7 =	simm.s32 $0x2;
	s12 =	simm.s32 $0x0;
	s1 =	ssub.s32 $0x4000, s2  }
0x7: {  	s8 =	simm.s32 $0x20000;
	s13 =	simm.s32 $0x0;
	s3 =	sand.u32 $0xF80, s1  }
0x8: {  	s9 =	simm.s32 $0x0;
	s5 =	sshrl.u32 s1, $0xC;
	p0 =	sne.s32 s3, $0x0  }
.Ltmp0:
0x9: {  	s1 =	rddreg [dreg:$0x2];
	s4 =	simm.s32 @!p0 $0x0;
	(pc) =	sbr.rel .LBB1_1-.Ltmp0, $4  }
0xa: {  	s11 =	simm.s32 $0x0;
	s3 =	rddreg [dreg:$0x1];
	s5 =	sadd.s32 s4, s5  }
0xb: {  	_ =	strace $0x8000004A;
	s4 =	simm.s32 $0x1;
	s5 =	smul.u32 $0x32, s5  }
0xc: {  	s6 =	sadd.s32 $0xA00, s6;
	s10 =	smov.u32 s2;
	[sflag:s4] =	ssyncpa.u1 $0x0  }
0xd: {  	p0 =	por $0x0, $0x0;
	[sflag:s7] =	ssyncpa.u1 $0x0;
	s7 =	sor.u32 $0x1, s5  }
.LBB1_4:
0xe: {  	s16 =	sshll.u32 s13, $0x3;
	s17 =	sand.u32 $0x78, s13  }
0xf: {  	s30 =	sand.u32 $0x1F800, s13;
	s12 =	sshll.u32 s12, $0x11;
	s16 =	sand.u32 $0x3C00, s16  }
0x10: {  	[tilespmem:s15+$0x810 ss:$0x81] =	vst.msk $0xffff, v2;
	s31 =	sand.u32 $0x7, s13;
	s16 =	sor.u32 s17, s16;
	s17 =	sadd.s32 s3, s30  }
0x11: {  	[tilespmem:s15+$0x1020 ss:$0x81] =	vst.msk $0xffff, v0;
	s13 =	sshll.u32 s31, $0x12;
	s12 =	sadd.s32 s12, s17;
	s16 =	sshrl.u32 s16, $0x3  }
0x12: {  	[tilespmem:s15+$0x0 ss:$0x81] =	vst.msk $0xffff, v1;
	s13 =	sor.u32 $0x400, s13;
	s12 =	sadd.s32 s16, s12  }
0x13: {  	[hbm4b:s12+s13] =	stream.strided.scatter [tilespmem:s14], [sflag:$0x2], $0x2000, s8, s13, $0x20;
	[tilespmem:$0x8080] =	vst v63  }
.LBB1_5:
0x14: {  	s14 =	sadd.s32 $0x1, s9  }
0x15: {  	s12 =	sadd.s32 $0x1000, s10;
	s16 =	smov.u32 s10;
	p2 =	sgt.s32 s14, $0x31  }
0x16: {  	s16 =	smov.u32 @p2 s12  }
0x17: {  	s14 =	simm.s32 @p2 $0x0;
	p2 =	sgt.s32 s16, $0x3FFF  }
0x18: {  	s16 =	smov.u32 @p2 s2;
	p2 =	sne.s32 s11, s7  }
.Ltmp1:
0x19: {  	p1 =	slt.u32 s11, $0x2;
	(pc) =	sbr.rel @!p2 .LBB1_6-.Ltmp1, $4  }
0x1a: {  	s15 =	simm.s32 @!p1 $0x2  }
0x1b: {  	s13 =	smov.u32 s10;
	p0 =	por !p0, !p0;
	_ =	swait.ge @!p1 [sflag:s15], $0x2000  }
0x1c: {  	s12 =	smov.u32 s9;
	[sflag:s15] =	ssyncset.done @!p1 $0x0;
	s9 =	smov.u32 s14  }
0x1d: {  	s11 =	sadd.s32 $0x1, s11;
	[sflag:s15] =	ssyncadd.s32 @!p1 $0xFFFFE000;
	s10 =	smov.u32 s16  }
.LBB1_1:
0x1e: {  	p1 =	sge.u32 s11, s5  }
0x1f: {  	s14 =	sand.u32 @!p1 $0x1FFFFFF, s9  }
0x20: {  	s15 =	smulhi.u32 @!p1 $0x4924925, s14;
	_ =	sdelay $0x1  }
0x21: {  	s15 =	smul.u32 @!p1 $0x38, s15  }
0x22: {  	s16 =	sxor.u32 @!p1 $0xFFFFFFFF, s11;
	s17 =	smul.u32 @!p1 $0x380, s10  }
0x23: {  	s31 =	sadd.s32 $0xFFFFFFFF, s11;
	s16 =	sshll.u32 @!p1 s16, $0xD;
	s14 =	ssub.s32 @!p1 s14, s15  }
0x24: {  	s15 =	sand.u32 @!p1 $0x2000, s16;
	s16 =	sadd.s32 @!p1 s6, s17;
	s14 =	sshll.u32 @!p1 s14, $0x4  }
0x25: {  	s17 =	simm.s32 @!p1 $0x1C00;
	s14 =	sadd.s32 @!p1 s14, s16;
	s16 =	simm.s32 @!p1 $0x40  }
0x26: {  	[tilespmem:s15], [sflag:$0x1] =	stream.strided.gather @!p1 [hbm4b:s14+s16], $0x2000, s17, s16, $0x38;
	[tilespmem:$0x8080] =	vst v63  }
0x27: {  	p1 =	sge.u32 s31, s5  }
.Ltmp2:
0x28: {  	_ = 	snop;
	(pc) =	sbr.rel @p1 .LBB1_5-.Ltmp2, $1  }
0x29: {  	_ =	sdelay $0x3  }
0x2a: {  	s14 =	simm.s32 $0x1  }
0x2b: {  	_ =	swait.ge [sflag:s4], $0x2000;
	s14 =	simm.s32 @!p0 $0x0  }
0x2c: {  	[sflag:s4] =	ssyncset.done $0x0;
	s15 =	sshll.u32 s14, $0xD  }
0x2d: {  	[sflag:s4] =	ssyncadd.s32 $0xFFFFE000;
	s18 =	sor.u32 $0x20, s15  }
0x2e: {  	s14 =	smul.u32 $0x8100, s14;
	v3 =	vld [tilespmem:s18+$0x10]  }
0x2f: {  	s30 =	sand.u32 $0x1, s11;
	v2 =	vld [tilespmem:s18+$0xFFFFFFF0]  }
0x30: {  	s15 =	smul.u32 $0x8100, s30;
	s14 =	sshrl.u32 s14, $0x2;
	v0 =	vld [tilespmem:s18+$0x0]  }
0x31: {  	v1 =	vld [tilespmem:s18+$0xFFFFFFE0];
	s16 =	sor.u32 $0x4000, s14  }
0x32: {  	s31 =	sshrl.u32 s15, $0x2;
	s15 =	sadd.s32 $0x0, s16  }
0x33: {  	s17 =	simm.s32 $0x4;
	s18 =	sadd.s32 $0x40, s18;
	s14 =	sor.u32 $0x4000, s31;
	[tilespmem:s15+$0x1830 ss:$0x81] =	vst.msk $0xffff, v3  }
.LBB1_3:
0x34: {  	v3 =	vld [tilespmem:s18+$0x10];
	p1 =	sne.s32 s17, $0x1FC;
	[tilespmem:s15+$0x810 ss:$0x81] =	vst.msk $0xffff, v2;
	s19 =	smov.u32 s17;
	s17 =	sadd.s32 $0x4, s17  }
.Ltmp3:
0x35: {  	v2 =	vld [tilespmem:s18+$0xFFFFFFF0];
	[tilespmem:s15+$0x1020 ss:$0x81] =	vst.msk $0xffff, v0;
	(pc) =	sbr.rel @p1 .LBB1_3-.Ltmp3, $4  }
0x36: {  	v0 =	vld [tilespmem:s18+$0x0];
	[tilespmem:s15+$0x0 ss:$0x81] =	vst.msk $0xffff, v1  }
0x37: {  	s15 =	sshra.s32 s19, $0x2;
	v1 =	vld [tilespmem:s18+$0xFFFFFFE0]  }
0x38: {  	s15 =	sadd.s32 s15, s16  }
0x39: {  	s18 =	sadd.s32 $0x40, s18;
	[tilespmem:s15+$0x1830 ss:$0x81] =	vst.msk $0xffff, v3  }
.Ltmp4:
0x3a: {  	_ = 	snop;
	(pc) =	sbr.rel .LBB1_4-.Ltmp4, $1  }
0x3b: {  	_ =	sdelay $0x3  }
.LBB1_6:
0x3c: {  	_ =	sfence.sel $0x180000  }
0x3d: {  	s2 =	simm.s32 $0x1;
	[bflag:$0x0] =	sbarrier.arrive $0xFFFF  }
0x3e: {  	s31 =	simm.s32 $0x2;
	[sflag:s2] =	ssyncpa.u1 $0x1  }
0x3f: {  	[sflag:s31] =	ssyncpa.u1 $0x1  }
0x40: {  	p0 =	sne.s32 s0, $0x0;
	_ =	strace $0x9000004A  }
0x41: {  	s0 =	sadd.s32 @!p0 $0x100000, s1;
	[bflag:$0x2] =	sbarrier.arrive $0xFFFF  }
0x42: {  	[sflag:s0] =	ssyncadd.tile.s32 @!p0 $0x1;
	_ =	shalt  }
.Lfunc_end1:
_tile_overlayer_lowered:
.L_overlay_start_2:
0x43: {  	(tag) =	ssettag $0x2  }
0x44: {  	s0 =	rddreg [dreg:$0x0];
	s2 =	stileid.u32  }
0x45: {  	s1 =	rddreg [dreg:$0x1];
	p0 =	sne.s32 s2, $0x0  }
0x46: {  	s3 =	rddreg [dreg:$0x2];
	[bflag:$0x3] =	sbarrier.arrive $0xFFFF;
	s2 =	simm.s32 @!p0 $0x1C01  }
0x47: {  	[timem:s3], [sflag:s2] =	dma.local @!p0 [hbm:s0], s1  }
0x48: {  	s0 =	simm.s32 @!p0 $0x1  }
0x49: {  	_ =	swait.ge @!p0 [sflag:s0], s1  }
0x4a: {  	s1 =	ssub.s32 @!p0 $0x0, s1;
	[sflag:s0] =	ssyncset.done @!p0 $0x0  }
0x4b: {  	[sflag:s0] =	ssyncadd.s32 @!p0 s1  }
0x4c: {  	[bflag:$0x3] =	sbarrier.arrive $0xFFFF  }
0x4d: {  	_ =	shalt  }

</sc_bundles>
